<compile_context>
chip_gen: v7x
topology: tpu7x:2x2x1
jax: 0.10.2.dev20260603
libtpu: 0.0.44.dev20260713+nightly
codegen_flags: <defaults>
</compile_context>

<pallas_src>
import functools

import jax
import jax.numpy as jnp
from jax import lax
from jax.experimental import pallas as pl
from jax.experimental.pallas import tpu as pltpu
from jax.experimental.pallas import tpu_sc as plsc

_NC, _NS, _LANES = 2, 16, 16
_NW = _NC * _NS
_SUB = 4
_NBUF = 2


def kernel(x, pe_table):
    batch, seq_len, d_model = x.shape
    s_per_w = seq_len // _NW
    n_sub = s_per_w // _SUB
    vecs = _SUB * d_model // _LANES

    mesh = plsc.VectorSubcoreMesh(
        core_axis_name="c", subcore_axis_name="s",
        num_cores=_NC, num_subcores=_NS)

    @functools.partial(
        pl.kernel,
        mesh=mesh,
        out_type=jax.ShapeDtypeStruct((batch, seq_len, d_model), jnp.float32),
        scratch_types=[
            pltpu.VMEM((_NBUF, _SUB, d_model), jnp.float32),
            pltpu.VMEM((_NBUF, batch, _SUB, d_model), jnp.float32),
            pltpu.VMEM((_NBUF, batch, _SUB, d_model), jnp.float32),
        ] + [pltpu.SemaphoreType.DMA] * (2 * _NBUF),
        compiler_params=pltpu.CompilerParams(use_tc_tiling_on_sc=True),
    )
    def sc_add(x_hbm, pe_hbm, out_hbm, pe_v, xi_v, xo_v, *sems):
        wid = lax.axis_index("s") * _NC + lax.axis_index("c")
        w_s0 = wid * s_per_w
        sin = sems[:_NBUF]
        sout = sems[_NBUF:]

        def start_in(par, c):
            s0 = w_s0 + c * _SUB
            pltpu.async_copy(pe_hbm.at[pl.ds(s0, _SUB), :], pe_v.at[par],
                             sin[par])
            pltpu.async_copy(x_hbm.at[:, pl.ds(s0, _SUB), :], xi_v.at[par],
                             sin[par])

        def wait_in(par):
            pltpu.make_async_copy(
                pe_hbm.at[pl.ds(w_s0, _SUB), :], pe_v.at[par], sin[par]).wait()
            pltpu.make_async_copy(
                x_hbm.at[:, pl.ds(w_s0, _SUB), :], xi_v.at[par], sin[par]).wait()

        def start_out(par, c):
            s0 = w_s0 + c * _SUB
            pltpu.async_copy(xo_v.at[par], out_hbm.at[:, pl.ds(s0, _SUB), :],
                             sout[par])

        def wait_out(par):
            pltpu.make_async_copy(
                xo_v.at[par], out_hbm.at[:, pl.ds(w_s0, _SUB), :],
                sout[par]).wait()

        def compute(par):
            @plsc.parallel_loop(0, vecs, unroll=4)
            def _(i):
                r = lax.shift_right_logical(i, 6)
                off = pl.multiple_of(lax.mul(lax.rem(i, 64), _LANES), _LANES)
                pv = pe_v[par, r, pl.ds(off, _LANES)]
                for b in range(batch):
                    xo_v[par, b, r, pl.ds(off, _LANES)] = (
                        xi_v[par, b, r, pl.ds(off, _LANES)] + pv)

        for par in range(_NBUF):
            start_in(par, par)

        def body(k, _):
            for par in range(_NBUF):
                c = _NBUF * k + par
                wait_in(par)

                @pl.when(c >= _NBUF)
                def _():
                    wait_out(par)

                compute(par)
                start_out(par, c)
                c_next = c + _NBUF

                @pl.when(c_next < n_sub)
                def _():
                    start_in(par, c_next)

            return 0

        lax.fori_loop(0, n_sub // _NBUF, body, 0)
        for par in range(_NBUF):
            wait_out(par)

    return sc_add(x, pe_table)

# --- scband reference (transcript-rebuilt; emitter-appended) ---
"""Pipeline reference for scband-positional-encoding-19920058319571 (READ-ONLY COPY).

The authoritative reference and input builder live on the scoring server;
editing this copy changes nothing except your own understanding.
"""

import jax, jax.numpy as jnp
import numpy as np

D_MODEL = 1024
MAX_LEN = 2048
BATCH = 4
SEQ_LEN = 2048


def setup_inputs(seed: int = 0) -> dict:
    key = jax.random.key(seed)
    k_x, k_pe = jax.random.split(key)
    x = jax.random.normal(k_x, (BATCH, SEQ_LEN, D_MODEL), dtype=jnp.float32)
    # learned absolute positional embedding table (nn.Embedding weight)
    pe_table = jax.random.normal(k_pe, (MAX_LEN, D_MODEL), dtype=jnp.float32)
    return {"x": x, "pe_table": pe_table}


def reference(x, pe_table):
    # mode == 'absolute'
    seq_len = x.shape[1]
    positions = jnp.arange(seq_len)[None, :]          # [1, seq]
    pos_embed = jnp.take(pe_table, positions, axis=0)  # [1, seq, d_model] gather
    return x + pos_embed

if __name__ == "__main__":
    import jax
    _d = setup_inputs()
    print(jax.jit(kernel)(*tuple(_d.values())))

</pallas_src>

<mosaic_0001>
#map = affine_map<(d0, d1) -> (0, 0, 0)>
#map1 = affine_map<(d0, d1) -> (0, 0)>
module attributes {stable_mosaic.version = 14 : i64} {
  func.func @sc_add(%arg0: i32, %arg1: i32, %arg2: memref<4x2048x1024xf32, #tpu.memory_space<hbm>>, %arg3: memref<2048x1024xf32, #tpu.memory_space<hbm>>, %arg4: memref<4x2048x1024xf32, #tpu.memory_space<hbm>>, %arg5: memref<2x4x1024xf32, #tpu.memory_space<vmem>>, %arg6: memref<2x4x4x1024xf32, #tpu.memory_space<vmem>>, %arg7: memref<2x4x4x1024xf32, #tpu.memory_space<vmem>>, %arg8: memref<!tpu.dma_semaphore, #tpu.memory_space<semaphore_mem>>, %arg9: memref<!tpu.dma_semaphore, #tpu.memory_space<semaphore_mem>>, %arg10: memref<!tpu.dma_semaphore, #tpu.memory_space<semaphore_mem>>, %arg11: memref<!tpu.dma_semaphore, #tpu.memory_space<semaphore_mem>>) attributes {dimension_semantics = [#tpu.dimension_semantics<core_parallel>, #tpu.dimension_semantics<subcore_parallel>], iteration_bounds = array<i64: 2, 16>, scalar_prefetch = 0 : i64, scratch_operands = 7 : i64, tpu.core_type = #tpu.core_type<sc_vector_subcore>, window_params = [{transform_indices = #map}, {transform_indices = #map1}, {transform_indices = #map}]} {
    %mul3A = arith.constant 2 : i32
    %mul3A_0 = arith.muli %arg1, %mul3A : i32
    %add3A = arith.addi %mul3A_0, %arg0 : i32
    %mul3A_1 = arith.constant 64 : i32
    %mul3A_2 = arith.muli %add3A, %mul3A_1 : i32
    %add3A_3 = arith.constant 0 : i32
    %add3A_4 = arith.addi %mul3A_2, %add3A_3 : i32
    %dma_start3A = arith.constant 0 : i32
    %dma_start3A_5 = arith.constant 0 : i32
    %dma_start3A_6 = arith.constant 0 : i32
    %dma_start3A_7 = tpu.memref_slice %arg5[%dma_start3A, %dma_start3A_5, %dma_start3A_6] : memref<2x4x1024xf32, #tpu.memory_space<vmem>> -> memref<1x4x1024xf32, #tpu.memory_space<vmem>>
    %dma_start3A_8 = tpu.memref_squeeze %dma_start3A_7 : memref<1x4x1024xf32, #tpu.memory_space<vmem>> -> memref<4x1024xf32, #tpu.memory_space<vmem>>
    %dma_start3A_9 = arith.constant 0 : i32
    %dma_start3A_10 = tpu.memref_slice %arg3[%add3A_4, %dma_start3A_9] : memref<2048x1024xf32, #tpu.memory_space<hbm>> -> memref<4x1024xf32, #tpu.memory_space<hbm>>
    %dma_start3A_11 = arith.constant 0 : i32
    %dma_start3A_12 = arith.constant 0 : i32
    %dma_start3A_13 = tpu.memref_slice %arg5[%dma_start3A, %dma_start3A_11, %dma_start3A_12] : memref<2x4x1024xf32, #tpu.memory_space<vmem>> -> memref<1x4x1024xf32, #tpu.memory_space<vmem>>
    %dma_start3A_14 = tpu.memref_squeeze %dma_start3A_13 : memref<1x4x1024xf32, #tpu.memory_space<vmem>> -> memref<4x1024xf32, #tpu.memory_space<vmem>>
    %dma_start3A_15 = arith.constant 0 : i32
    %dma_start3A_16 = tpu.memref_slice %arg3[%add3A_4, %dma_start3A_15] : memref<2048x1024xf32, #tpu.memory_space<hbm>> -> memref<4x1024xf32, #tpu.memory_space<hbm>>
    tpu.enqueue_dma source(%dma_start3A_16 : memref<4x1024xf32, #tpu.memory_space<hbm>>) target(%dma_start3A_14 : memref<4x1024xf32, #tpu.memory_space<vmem>>) target_semaphore(%arg8 : memref<!tpu.dma_semaphore, #tpu.memory_space<semaphore_mem>>)
    %dma_start3A_17 = arith.constant 0 : i32
    %dma_start3A_18 = arith.constant 0 : i32
    %dma_start3A_19 = arith.constant 0 : i32
    %dma_start3A_20 = arith.constant 0 : i32
    %dma_start3A_21 = tpu.memref_slice %arg6[%dma_start3A_17, %dma_start3A_18, %dma_start3A_19, %dma_start3A_20] : memref<2x4x4x1024xf32, #tpu.memory_space<vmem>> -> memref<1x4x4x1024xf32, #tpu.memory_space<vmem>>
    %dma_start3A_22 = tpu.memref_squeeze %dma_start3A_21 : memref<1x4x4x1024xf32, #tpu.memory_space<vmem>> -> memref<4x4x1024xf32, #tpu.memory_space<vmem>>
    %dma_start3A_23 = arith.constant 0 : i32
    %dma_start3A_24 = arith.constant 0 : i32
    %dma_start3A_25 = tpu.memref_slice %arg2[%dma_start3A_23, %add3A_4, %dma_start3A_24] : memref<4x2048x1024xf32, #tpu.memory_space<hbm>> -> memref<4x4x1024xf32, #tpu.memory_space<hbm>>
    %dma_start3A_26 = arith.constant 0 : i32
    %dma_start3A_27 = arith.constant 0 : i32
    %dma_start3A_28 = arith.constant 0 : i32
    %dma_start3A_29 = tpu.memref_slice %arg6[%dma_start3A_17, %dma_start3A_26, %dma_start3A_27, %dma_start3A_28] : memref<2x4x4x1024xf32, #tpu.memory_space<vmem>> -> memref<1x4x4x1024xf32, #tpu.memory_space<vmem>>
    %dma_start3A_30 = tpu.memref_squeeze %dma_start3A_29 : memref<1x4x4x1024xf32, #tpu.memory_space<vmem>> -> memref<4x4x1024xf32, #tpu.memory_space<vmem>>
    %dma_start3A_31 = arith.constant 0 : i32
    %dma_start3A_32 = arith.constant 0 : i32
    %dma_start3A_33 = tpu.memref_slice %arg2[%dma_start3A_31, %add3A_4, %dma_start3A_32] : memref<4x2048x1024xf32, #tpu.memory_space<hbm>> -> memref<4x4x1024xf32, #tpu.memory_space<hbm>>
    tpu.enqueue_dma source(%dma_start3A_33 : memref<4x4x1024xf32, #tpu.memory_space<hbm>>) target(%dma_start3A_30 : memref<4x4x1024xf32, #tpu.memory_space<vmem>>) target_semaphore(%arg8 : memref<!tpu.dma_semaphore, #tpu.memory_space<semaphore_mem>>)
    %add3A_34 = arith.constant 4 : i32
    %add3A_35 = arith.addi %mul3A_2, %add3A_34 : i32
    %dma_start3A_36 = arith.constant 1 : i32
    %dma_start3A_37 = arith.constant 0 : i32
    %dma_start3A_38 = arith.constant 0 : i32
    %dma_start3A_39 = tpu.memref_slice %arg5[%dma_start3A_36, %dma_start3A_37, %dma_start3A_38] : memref<2x4x1024xf32, #tpu.memory_space<vmem>> -> memref<1x4x1024xf32, #tpu.memory_space<vmem>>
    %dma_start3A_40 = tpu.memref_squeeze %dma_start3A_39 : memref<1x4x1024xf32, #tpu.memory_space<vmem>> -> memref<4x1024xf32, #tpu.memory_space<vmem>>
    %dma_start3A_41 = arith.constant 0 : i32
    %dma_start3A_42 = tpu.memref_slice %arg3[%add3A_35, %dma_start3A_41] : memref<2048x1024xf32, #tpu.memory_space<hbm>> -> memref<4x1024xf32, #tpu.memory_space<hbm>>
    %dma_start3A_43 = arith.constant 0 : i32
    %dma_start3A_44 = arith.constant 0 : i32
    %dma_start3A_45 = tpu.memref_slice %arg5[%dma_start3A_36, %dma_start3A_43, %dma_start3A_44] : memref<2x4x1024xf32, #tpu.memory_space<vmem>> -> memref<1x4x1024xf32, #tpu.memory_space<vmem>>
    %dma_start3A_46 = tpu.memref_squeeze %dma_start3A_45 : memref<1x4x1024xf32, #tpu.memory_space<vmem>> -> memref<4x1024xf32, #tpu.memory_space<vmem>>
    %dma_start3A_47 = arith.constant 0 : i32
    %dma_start3A_48 = tpu.memref_slice %arg3[%add3A_35, %dma_start3A_47] : memref<2048x1024xf32, #tpu.memory_space<hbm>> -> memref<4x1024xf32, #tpu.memory_space<hbm>>
    tpu.enqueue_dma source(%dma_start3A_48 : memref<4x1024xf32, #tpu.memory_space<hbm>>) target(%dma_start3A_46 : memref<4x1024xf32, #tpu.memory_space<vmem>>) target_semaphore(%arg9 : memref<!tpu.dma_semaphore, #tpu.memory_space<semaphore_mem>>)
    %dma_start3A_49 = arith.constant 1 : i32
    %dma_start3A_50 = arith.constant 0 : i32
    %dma_start3A_51 = arith.constant 0 : i32
    %dma_start3A_52 = arith.constant 0 : i32
    %dma_start3A_53 = tpu.memref_slice %arg6[%dma_start3A_49, %dma_start3A_50, %dma_start3A_51, %dma_start3A_52] : memref<2x4x4x1024xf32, #tpu.memory_space<vmem>> -> memref<1x4x4x1024xf32, #tpu.memory_space<vmem>>
    %dma_start3A_54 = tpu.memref_squeeze %dma_start3A_53 : memref<1x4x4x1024xf32, #tpu.memory_space<vmem>> -> memref<4x4x1024xf32, #tpu.memory_space<vmem>>
    %dma_start3A_55 = arith.constant 0 : i32
    %dma_start3A_56 = arith.constant 0 : i32
    %dma_start3A_57 = tpu.memref_slice %arg2[%dma_start3A_55, %add3A_35, %dma_start3A_56] : memref<4x2048x1024xf32, #tpu.memory_space<hbm>> -> memref<4x4x1024xf32, #tpu.memory_space<hbm>>
    %dma_start3A_58 = arith.constant 0 : i32
    %dma_start3A_59 = arith.constant 0 : i32
    %dma_start3A_60 = arith.constant 0 : i32
    %dma_start3A_61 = tpu.memref_slice %arg6[%dma_start3A_49, %dma_start3A_58, %dma_start3A_59, %dma_start3A_60] : memref<2x4x4x1024xf32, #tpu.memory_space<vmem>> -> memref<1x4x4x1024xf32, #tpu.memory_space<vmem>>
    %dma_start3A_62 = tpu.memref_squeeze %dma_start3A_61 : memref<1x4x4x1024xf32, #tpu.memory_space<vmem>> -> memref<4x4x1024xf32, #tpu.memory_space<vmem>>
    %dma_start3A_63 = arith.constant 0 : i32
    %dma_start3A_64 = arith.constant 0 : i32
    %dma_start3A_65 = tpu.memref_slice %arg2[%dma_start3A_63, %add3A_35, %dma_start3A_64] : memref<4x2048x1024xf32, #tpu.memory_space<hbm>> -> memref<4x4x1024xf32, #tpu.memory_space<hbm>>
    tpu.enqueue_dma source(%dma_start3A_65 : memref<4x4x1024xf32, #tpu.memory_space<hbm>>) target(%dma_start3A_62 : memref<4x4x1024xf32, #tpu.memory_space<vmem>>) target_semaphore(%arg9 : memref<!tpu.dma_semaphore, #tpu.memory_space<semaphore_mem>>)
    %scan3A = arith.constant 0 : i32
    %scan3A_66 = arith.constant 0 : i32
    %scan3A_67 = arith.constant 8 : i32
    %scan3A_68 = arith.addi %scan3A_66, %scan3A_67 : i32
    %scan3A_69 = arith.constant 1 : i32
    %scan3A_70 = scf.for %scan3A_105 = %scan3A_66 to %scan3A_68 step %scan3A_69 iter_args(%scan3A_106 = %scan3A) -> (i32)  : i32 {
      %mul3A_107 = arith.constant 2 : i32
      %mul3A_108 = arith.muli %mul3A_107, %scan3A_105 : i32
      %add3A_109 = arith.constant 0 : i32
      %add3A_110 = arith.addi %mul3A_108, %add3A_109 : i32
      %dma_wait3A_111 = arith.constant 0 : i32
      %dma_wait3A_112 = arith.constant 0 : i32
      %dma_wait3A_113 = arith.constant 0 : i32
      %dma_wait3A_114 = tpu.memref_slice %arg5[%dma_wait3A_111, %dma_wait3A_112, %dma_wait3A_113] : memref<2x4x1024xf32, #tpu.memory_space<vmem>> -> memref<1x4x1024xf32, #tpu.memory_space<vmem>>
      %dma_wait3A_115 = tpu.memref_squeeze %dma_wait3A_114 : memref<1x4x1024xf32, #tpu.memory_space<vmem>> -> memref<4x1024xf32, #tpu.memory_space<vmem>>
      %dma_wait3A_116 = arith.constant 0 : i32
      %dma_wait3A_117 = tpu.memref_slice %arg3[%mul3A_2, %dma_wait3A_116] : memref<2048x1024xf32, #tpu.memory_space<hbm>> -> memref<4x1024xf32, #tpu.memory_space<hbm>>
      %dma_wait3A_118 = arith.constant 0 : i32
      %dma_wait3A_119 = arith.constant 0 : i32
      %dma_wait3A_120 = tpu.memref_slice %arg5[%dma_wait3A_111, %dma_wait3A_118, %dma_wait3A_119] : memref<2x4x1024xf32, #tpu.memory_space<vmem>> -> memref<1x4x1024xf32, #tpu.memory_space<vmem>>
      %dma_wait3A_121 = tpu.memref_squeeze %dma_wait3A_120 : memref<1x4x1024xf32, #tpu.memory_space<vmem>> -> memref<4x1024xf32, #tpu.memory_space<vmem>>
      %dma_wait3A_122 = arith.constant 0 : i32
      %dma_wait3A_123 = tpu.memref_slice %arg3[%mul3A_2, %dma_wait3A_122] : memref<2048x1024xf32, #tpu.memory_space<hbm>> -> memref<4x1024xf32, #tpu.memory_space<hbm>>
      tpu.wait_dma2 semaphore(%arg8 : memref<!tpu.dma_semaphore, #tpu.memory_space<semaphore_mem>>) src(%dma_wait3A_123 : memref<4x1024xf32, #tpu.memory_space<hbm>>) dst(%dma_wait3A_121 : memref<4x1024xf32, #tpu.memory_space<vmem>>)
      %dma_wait3A_124 = arith.constant 0 : i32
      %dma_wait3A_125 = arith.constant 0 : i32
      %dma_wait3A_126 = arith.constant 0 : i32
      %dma_wait3A_127 = arith.constant 0 : i32
      %dma_wait3A_128 = tpu.memref_slice %arg6[%dma_wait3A_124, %dma_wait3A_125, %dma_wait3A_126, %dma_wait3A_127] : memref<2x4x4x1024xf32, #tpu.memory_space<vmem>> -> memref<1x4x4x1024xf32, #tpu.memory_space<vmem>>
      %dma_wait3A_129 = tpu.memref_squeeze %dma_wait3A_128 : memref<1x4x4x1024xf32, #tpu.memory_space<vmem>> -> memref<4x4x1024xf32, #tpu.memory_space<vmem>>
      %dma_wait3A_130 = arith.constant 0 : i32
      %dma_wait3A_131 = arith.constant 0 : i32
      %dma_wait3A_132 = tpu.memref_slice %arg2[%dma_wait3A_130, %mul3A_2, %dma_wait3A_131] : memref<4x2048x1024xf32, #tpu.memory_space<hbm>> -> memref<4x4x1024xf32, #tpu.memory_space<hbm>>
      %dma_wait3A_133 = arith.constant 0 : i32
      %dma_wait3A_134 = arith.constant 0 : i32
      %dma_wait3A_135 = arith.constant 0 : i32
      %dma_wait3A_136 = tpu.memref_slice %arg6[%dma_wait3A_124, %dma_wait3A_133, %dma_wait3A_134, %dma_wait3A_135] : memref<2x4x4x1024xf32, #tpu.memory_space<vmem>> -> memref<1x4x4x1024xf32, #tpu.memory_space<vmem>>
      %dma_wait3A_137 = tpu.memref_squeeze %dma_wait3A_136 : memref<1x4x4x1024xf32, #tpu.memory_space<vmem>> -> memref<4x4x1024xf32, #tpu.memory_space<vmem>>
      %dma_wait3A_138 = arith.constant 0 : i32
      %dma_wait3A_139 = arith.constant 0 : i32
      %dma_wait3A_140 = tpu.memref_slice %arg2[%dma_wait3A_138, %mul3A_2, %dma_wait3A_139] : memref<4x2048x1024xf32, #tpu.memory_space<hbm>> -> memref<4x4x1024xf32, #tpu.memory_space<hbm>>
      tpu.wait_dma2 semaphore(%arg8 : memref<!tpu.dma_semaphore, #tpu.memory_space<semaphore_mem>>) src(%dma_wait3A_140 : memref<4x4x1024xf32, #tpu.memory_space<hbm>>) dst(%dma_wait3A_137 : memref<4x4x1024xf32, #tpu.memory_space<vmem>>)
      %ge3A = arith.constant 2 : i32
      %ge3A_141 = arith.cmpi sge, %add3A_110, %ge3A : i32
      %convert_element_type3A = arith.extui %ge3A_141 : i1 to i32
      %cond3A = arith.constant 0 : i32
      %cond3A_142 = arith.cmpi ne, %convert_element_type3A, %cond3A : i32
      scf.if %cond3A_142 {
        %dma_wait3A_241 = arith.constant 0 : i32
        %dma_wait3A_242 = arith.constant 0 : i32
        %dma_wait3A_243 = arith.constant 0 : i32
        %dma_wait3A_244 = arith.constant 0 : i32
        %dma_wait3A_245 = tpu.memref_slice %arg7[%dma_wait3A_241, %dma_wait3A_242, %dma_wait3A_243, %dma_wait3A_244] : memref<2x4x4x1024xf32, #tpu.memory_space<vmem>> -> memref<1x4x4x1024xf32, #tpu.memory_space<vmem>>
        %dma_wait3A_246 = tpu.memref_squeeze %dma_wait3A_245 : memref<1x4x4x1024xf32, #tpu.memory_space<vmem>> -> memref<4x4x1024xf32, #tpu.memory_space<vmem>>
        %dma_wait3A_247 = arith.constant 0 : i32
        %dma_wait3A_248 = arith.constant 0 : i32
        %dma_wait3A_249 = tpu.memref_slice %arg4[%dma_wait3A_247, %mul3A_2, %dma_wait3A_248] : memref<4x2048x1024xf32, #tpu.memory_space<hbm>> -> memref<4x4x1024xf32, #tpu.memory_space<hbm>>
        %dma_wait3A_250 = arith.constant 0 : i32
        %dma_wait3A_251 = arith.constant 0 : i32
        %dma_wait3A_252 = tpu.memref_slice %arg4[%dma_wait3A_250, %mul3A_2, %dma_wait3A_251] : memref<4x2048x1024xf32, #tpu.memory_space<hbm>> -> memref<4x4x1024xf32, #tpu.memory_space<hbm>>
        %dma_wait3A_253 = arith.constant 0 : i32
        %dma_wait3A_254 = arith.constant 0 : i32
        %dma_wait3A_255 = arith.constant 0 : i32
        %dma_wait3A_256 = tpu.memref_slice %arg7[%dma_wait3A_241, %dma_wait3A_253, %dma_wait3A_254, %dma_wait3A_255] : memref<2x4x4x1024xf32, #tpu.memory_space<vmem>> -> memref<1x4x4x1024xf32, #tpu.memory_space<vmem>>
        %dma_wait3A_257 = tpu.memref_squeeze %dma_wait3A_256 : memref<1x4x4x1024xf32, #tpu.memory_space<vmem>> -> memref<4x4x1024xf32, #tpu.memory_space<vmem>>
        tpu.wait_dma2 semaphore(%arg10 : memref<!tpu.dma_semaphore, #tpu.memory_space<semaphore_mem>>) src(%dma_wait3A_257 : memref<4x4x1024xf32, #tpu.memory_space<vmem>>) dst(%dma_wait3A_252 : memref<4x4x1024xf32, #tpu.memory_space<hbm>>)
      } else {
      }
      %parallel_loop3A = arith.constant 0 : i32
      %parallel_loop3A_143 = arith.constant 256 : i32
      %parallel_loop3A_144 = arith.constant 1 : i32
      scf.for %parallel_loop3A_241 = %parallel_loop3A to %parallel_loop3A_143 step %parallel_loop3A_144  : i32 {
        %parallel_loop3A_242 = arith.constant 6 : i32
        %parallel_loop3A_243 = arith.shrui %parallel_loop3A_241, %parallel_loop3A_242 : i32
        %parallel_loop3A_244 = arith.constant 64 : i32
        %parallel_loop3A_245 = arith.remsi %parallel_loop3A_241, %parallel_loop3A_244 : i32
        %parallel_loop3A_246 = arith.constant 16 : i32
        %parallel_loop3A_247 = arith.muli %parallel_loop3A_245, %parallel_loop3A_246 : i32
        %parallel_loop3A_248 = tpu.assume_multiple %parallel_loop3A_247, 16 : i32
        %parallel_loop3A_249 = arith.constant 0 : i32
        %parallel_loop3A_250 = arith.index_cast %parallel_loop3A_249 : i32 to index
        %parallel_loop3A_251 = arith.index_cast %parallel_loop3A_243 : i32 to index
        %parallel_loop3A_252 = arith.index_cast %parallel_loop3A_248 : i32 to index
        %parallel_loop3A_253 = tpu.vector_load %arg5[%parallel_loop3A_250, %parallel_loop3A_251, %parallel_loop3A_252] {strides = array<i32>} : memref<2x4x1024xf32, #tpu.memory_space<vmem>>, vector<1x1x16xf32>,
        %parallel_loop3A_254 = vector.shape_cast %parallel_loop3A_253 : vector<1x1x16xf32> to vector<16xf32>
        %parallel_loop3A_255 = arith.constant 0 : i32
        %parallel_loop3A_256 = arith.constant 0 : i32
        %parallel_loop3A_257 = arith.index_cast %parallel_loop3A_255 : i32 to index
        %parallel_loop3A_258 = arith.index_cast %parallel_loop3A_256 : i32 to index
        %parallel_loop3A_259 = arith.index_cast %parallel_loop3A_243 : i32 to index
        %parallel_loop3A_260 = arith.index_cast %parallel_loop3A_248 : i32 to index
        %parallel_loop3A_261 = tpu.vector_load %arg6[%parallel_loop3A_257, %parallel_loop3A_258, %parallel_loop3A_259, %parallel_loop3A_260] {strides = array<i32>} : memref<2x4x4x1024xf32, #tpu.memory_space<vmem>>, vector<1x1x1x16xf32>,
        %parallel_loop3A_262 = vector.shape_cast %parallel_loop3A_261 : vector<1x1x1x16xf32> to vector<16xf32>
        %parallel_loop3A_263 = arith.addf %parallel_loop3A_262, %parallel_loop3A_254 : vector<16xf32>
        %parallel_loop3A_264 = arith.constant 0 : i32
        %parallel_loop3A_265 = arith.constant 0 : i32
        %parallel_loop3A_266 = arith.index_cast %parallel_loop3A_264 : i32 to index
        %parallel_loop3A_267 = arith.index_cast %parallel_loop3A_265 : i32 to index
        %parallel_loop3A_268 = arith.index_cast %parallel_loop3A_243 : i32 to index
        %parallel_loop3A_269 = arith.index_cast %parallel_loop3A_248 : i32 to index
        %parallel_loop3A_270 = tpu.vector_load %arg7[%parallel_loop3A_266, %parallel_loop3A_267, %parallel_loop3A_268, %parallel_loop3A_269] {strides = array<i32>} : memref<2x4x4x1024xf32, #tpu.memory_space<vmem>>, vector<1x1x1x16xf32>,
        %parallel_loop3A_271 = vector.shape_cast %parallel_loop3A_270 : vector<1x1x1x16xf32> to vector<16xf32>
        %parallel_loop3A_272 = vector.shape_cast %parallel_loop3A_263 : vector<16xf32> to vector<1x1x1x16xf32>
        tpu.vector_store %arg7[%parallel_loop3A_266, %parallel_loop3A_267, %parallel_loop3A_268, %parallel_loop3A_269], %parallel_loop3A_272 {strides = array<i32>} : memref<2x4x4x1024xf32, #tpu.memory_space<vmem>>, vector<1x1x1x16xf32>,
        %parallel_loop3A_273 = arith.constant 0 : i32
        %parallel_loop3A_274 = arith.constant 1 : i32
        %parallel_loop3A_275 = arith.index_cast %parallel_loop3A_273 : i32 to index
        %parallel_loop3A_276 = arith.index_cast %parallel_loop3A_274 : i32 to index
        %parallel_loop3A_277 = arith.index_cast %parallel_loop3A_243 : i32 to index
        %parallel_loop3A_278 = arith.index_cast %parallel_loop3A_248 : i32 to index
        %parallel_loop3A_279 = tpu.vector_load %arg6[%parallel_loop3A_275, %parallel_loop3A_276, %parallel_loop3A_277, %parallel_loop3A_278] {strides = array<i32>} : memref<2x4x4x1024xf32, #tpu.memory_space<vmem>>, vector<1x1x1x16xf32>,
        %parallel_loop3A_280 = vector.shape_cast %parallel_loop3A_279 : vector<1x1x1x16xf32> to vector<16xf32>
        %parallel_loop3A_281 = arith.addf %parallel_loop3A_280, %parallel_loop3A_254 : vector<16xf32>
        %parallel_loop3A_282 = arith.constant 0 : i32
        %parallel_loop3A_283 = arith.constant 1 : i32
        %parallel_loop3A_284 = arith.index_cast %parallel_loop3A_282 : i32 to index
        %parallel_loop3A_285 = arith.index_cast %parallel_loop3A_283 : i32 to index
        %parallel_loop3A_286 = arith.index_cast %parallel_loop3A_243 : i32 to index
        %parallel_loop3A_287 = arith.index_cast %parallel_loop3A_248 : i32 to index
        %parallel_loop3A_288 = tpu.vector_load %arg7[%parallel_loop3A_284, %parallel_loop3A_285, %parallel_loop3A_286, %parallel_loop3A_287] {strides = array<i32>} : memref<2x4x4x1024xf32, #tpu.memory_space<vmem>>, vector<1x1x1x16xf32>,
        %parallel_loop3A_289 = vector.shape_cast %parallel_loop3A_288 : vector<1x1x1x16xf32> to vector<16xf32>
        %parallel_loop3A_290 = vector.shape_cast %parallel_loop3A_281 : vector<16xf32> to vector<1x1x1x16xf32>
        tpu.vector_store %arg7[%parallel_loop3A_284, %parallel_loop3A_285, %parallel_loop3A_286, %parallel_loop3A_287], %parallel_loop3A_290 {strides = array<i32>} : memref<2x4x4x1024xf32, #tpu.memory_space<vmem>>, vector<1x1x1x16xf32>,
        %parallel_loop3A_291 = arith.constant 0 : i32
        %parallel_loop3A_292 = arith.constant 2 : i32
        %parallel_loop3A_293 = arith.index_cast %parallel_loop3A_291 : i32 to index
        %parallel_loop3A_294 = arith.index_cast %parallel_loop3A_292 : i32 to index
        %parallel_loop3A_295 = arith.index_cast %parallel_loop3A_243 : i32 to index
        %parallel_loop3A_296 = arith.index_cast %parallel_loop3A_248 : i32 to index
        %parallel_loop3A_297 = tpu.vector_load %arg6[%parallel_loop3A_293, %parallel_loop3A_294, %parallel_loop3A_295, %parallel_loop3A_296] {strides = array<i32>} : memref<2x4x4x1024xf32, #tpu.memory_space<vmem>>, vector<1x1x1x16xf32>,
        %parallel_loop3A_298 = vector.shape_cast %parallel_loop3A_297 : vector<1x1x1x16xf32> to vector<16xf32>
        %parallel_loop3A_299 = arith.addf %parallel_loop3A_298, %parallel_loop3A_254 : vector<16xf32>
        %parallel_loop3A_300 = arith.constant 0 : i32
        %parallel_loop3A_301 = arith.constant 2 : i32
        %parallel_loop3A_302 = arith.index_cast %parallel_loop3A_300 : i32 to index
        %parallel_loop3A_303 = arith.index_cast %parallel_loop3A_301 : i32 to index
        %parallel_loop3A_304 = arith.index_cast %parallel_loop3A_243 : i32 to index
        %parallel_loop3A_305 = arith.index_cast %parallel_loop3A_248 : i32 to index
        %parallel_loop3A_306 = tpu.vector_load %arg7[%parallel_loop3A_302, %parallel_loop3A_303, %parallel_loop3A_304, %parallel_loop3A_305] {strides = array<i32>} : memref<2x4x4x1024xf32, #tpu.memory_space<vmem>>, vector<1x1x1x16xf32>,
        %parallel_loop3A_307 = vector.shape_cast %parallel_loop3A_306 : vector<1x1x1x16xf32> to vector<16xf32>
        %parallel_loop3A_308 = vector.shape_cast %parallel_loop3A_299 : vector<16xf32> to vector<1x1x1x16xf32>
        tpu.vector_store %arg7[%parallel_loop3A_302, %parallel_loop3A_303, %parallel_loop3A_304, %parallel_loop3A_305], %parallel_loop3A_308 {strides = array<i32>} : memref<2x4x4x1024xf32, #tpu.memory_space<vmem>>, vector<1x1x1x16xf32>,
        %parallel_loop3A_309 = arith.constant 0 : i32
        %parallel_loop3A_310 = arith.constant 3 : i32
        %parallel_loop3A_311 = arith.index_cast %parallel_loop3A_309 : i32 to index
        %parallel_loop3A_312 = arith.index_cast %parallel_loop3A_310 : i32 to index
        %parallel_loop3A_313 = arith.index_cast %parallel_loop3A_243 : i32 to index
        %parallel_loop3A_314 = arith.index_cast %parallel_loop3A_248 : i32 to index
        %parallel_loop3A_315 = tpu.vector_load %arg6[%parallel_loop3A_311, %parallel_loop3A_312, %parallel_loop3A_313, %parallel_loop3A_314] {strides = array<i32>} : memref<2x4x4x1024xf32, #tpu.memory_space<vmem>>, vector<1x1x1x16xf32>,
        %parallel_loop3A_316 = vector.shape_cast %parallel_loop3A_315 : vector<1x1x1x16xf32> to vector<16xf32>
        %parallel_loop3A_317 = arith.addf %parallel_loop3A_316, %parallel_loop3A_254 : vector<16xf32>
        %parallel_loop3A_318 = arith.constant 0 : i32
        %parallel_loop3A_319 = arith.constant 3 : i32
        %parallel_loop3A_320 = arith.index_cast %parallel_loop3A_318 : i32 to index
        %parallel_loop3A_321 = arith.index_cast %parallel_loop3A_319 : i32 to index
        %parallel_loop3A_322 = arith.index_cast %parallel_loop3A_243 : i32 to index
        %parallel_loop3A_323 = arith.index_cast %parallel_loop3A_248 : i32 to index
        %parallel_loop3A_324 = tpu.vector_load %arg7[%parallel_loop3A_320, %parallel_loop3A_321, %parallel_loop3A_322, %parallel_loop3A_323] {strides = array<i32>} : memref<2x4x4x1024xf32, #tpu.memory_space<vmem>>, vector<1x1x1x16xf32>,
        %parallel_loop3A_325 = vector.shape_cast %parallel_loop3A_324 : vector<1x1x1x16xf32> to vector<16xf32>
        %parallel_loop3A_326 = vector.shape_cast %parallel_loop3A_317 : vector<16xf32> to vector<1x1x1x16xf32>
        tpu.vector_store %arg7[%parallel_loop3A_320, %parallel_loop3A_321, %parallel_loop3A_322, %parallel_loop3A_323], %parallel_loop3A_326 {strides = array<i32>} : memref<2x4x4x1024xf32, #tpu.memory_space<vmem>>, vector<1x1x1x16xf32>,
      } {sc.loop_unroll_factor = 4 : i64, sc.parallel_access}
      %mul3A_145 = arith.constant 4 : i32
      %mul3A_146 = arith.muli %add3A_110, %mul3A_145 : i32
      %add3A_147 = arith.addi %mul3A_2, %mul3A_146 : i32
      %dma_start3A_148 = arith.constant 0 : i32
      %dma_start3A_149 = arith.constant 0 : i32
      %dma_start3A_150 = arith.constant 0 : i32
      %dma_start3A_151 = arith.constant 0 : i32
      %dma_start3A_152 = tpu.memref_slice %arg7[%dma_start3A_148, %dma_start3A_149, %dma_start3A_150, %dma_start3A_151] : memref<2x4x4x1024xf32, #tpu.memory_space<vmem>> -> memref<1x4x4x1024xf32, #tpu.memory_space<vmem>>
      %dma_start3A_153 = tpu.memref_squeeze %dma_start3A_152 : memref<1x4x4x1024xf32, #tpu.memory_space<vmem>> -> memref<4x4x1024xf32, #tpu.memory_space<vmem>>
      %dma_start3A_154 = arith.constant 0 : i32
      %dma_start3A_155 = arith.constant 0 : i32
      %dma_start3A_156 = tpu.memref_slice %arg4[%dma_start3A_154, %add3A_147, %dma_start3A_155] : memref<4x2048x1024xf32, #tpu.memory_space<hbm>> -> memref<4x4x1024xf32, #tpu.memory_space<hbm>>
      %dma_start3A_157 = arith.constant 0 : i32
      %dma_start3A_158 = arith.constant 0 : i32
      %dma_start3A_159 = tpu.memref_slice %arg4[%dma_start3A_157, %add3A_147, %dma_start3A_158] : memref<4x2048x1024xf32, #tpu.memory_space<hbm>> -> memref<4x4x1024xf32, #tpu.memory_space<hbm>>
      %dma_start3A_160 = arith.constant 0 : i32
      %dma_start3A_161 = arith.constant 0 : i32
      %dma_start3A_162 = arith.constant 0 : i32
      %dma_start3A_163 = tpu.memref_slice %arg7[%dma_start3A_148, %dma_start3A_160, %dma_start3A_161, %dma_start3A_162] : memref<2x4x4x1024xf32, #tpu.memory_space<vmem>> -> memref<1x4x4x1024xf32, #tpu.memory_space<vmem>>
      %dma_start3A_164 = tpu.memref_squeeze %dma_start3A_163 : memref<1x4x4x1024xf32, #tpu.memory_space<vmem>> -> memref<4x4x1024xf32, #tpu.memory_space<vmem>>
      tpu.enqueue_dma source(%dma_start3A_164 : memref<4x4x1024xf32, #tpu.memory_space<vmem>>) target(%dma_start3A_159 : memref<4x4x1024xf32, #tpu.memory_space<hbm>>) target_semaphore(%arg10 : memref<!tpu.dma_semaphore, #tpu.memory_space<semaphore_mem>>)
      %add3A_165 = arith.constant 2 : i32
      %add3A_166 = arith.addi %add3A_110, %add3A_165 : i32
      %lt3A = arith.constant 16 : i32
      %lt3A_167 = arith.cmpi slt, %add3A_166, %lt3A : i32
      %convert_element_type3A_168 = arith.extui %lt3A_167 : i1 to i32
      %cond3A_169 = arith.constant 0 : i32
      %cond3A_170 = arith.cmpi ne, %convert_element_type3A_168, %cond3A_169 : i32
      scf.if %cond3A_170 {
        %mul3A_241 = arith.constant 4 : i32
        %mul3A_242 = arith.muli %add3A_166, %mul3A_241 : i32
        %add3A_243 = arith.addi %mul3A_2, %mul3A_242 : i32
        %dma_start3A_244 = arith.constant 0 : i32
        %dma_start3A_245 = arith.constant 0 : i32
        %dma_start3A_246 = arith.constant 0 : i32
        %dma_start3A_247 = tpu.memref_slice %arg5[%dma_start3A_244, %dma_start3A_245, %dma_start3A_246] : memref<2x4x1024xf32, #tpu.memory_space<vmem>> -> memref<1x4x1024xf32, #tpu.memory_space<vmem>>
        %dma_start3A_248 = tpu.memref_squeeze %dma_start3A_247 : memref<1x4x1024xf32, #tpu.memory_space<vmem>> -> memref<4x1024xf32, #tpu.memory_space<vmem>>
        %dma_start3A_249 = arith.constant 0 : i32
        %dma_start3A_250 = tpu.memref_slice %arg3[%add3A_243, %dma_start3A_249] : memref<2048x1024xf32, #tpu.memory_space<hbm>> -> memref<4x1024xf32, #tpu.memory_space<hbm>>
        %dma_start3A_251 = arith.constant 0 : i32
        %dma_start3A_252 = arith.constant 0 : i32
        %dma_start3A_253 = tpu.memref_slice %arg5[%dma_start3A_244, %dma_start3A_251, %dma_start3A_252] : memref<2x4x1024xf32, #tpu.memory_space<vmem>> -> memref<1x4x1024xf32, #tpu.memory_space<vmem>>
        %dma_start3A_254 = tpu.memref_squeeze %dma_start3A_253 : memref<1x4x1024xf32, #tpu.memory_space<vmem>> -> memref<4x1024xf32, #tpu.memory_space<vmem>>
        %dma_start3A_255 = arith.constant 0 : i32
        %dma_start3A_256 = tpu.memref_slice %arg3[%add3A_243, %dma_start3A_255] : memref<2048x1024xf32, #tpu.memory_space<hbm>> -> memref<4x1024xf32, #tpu.memory_space<hbm>>
        tpu.enqueue_dma source(%dma_start3A_256 : memref<4x1024xf32, #tpu.memory_space<hbm>>) target(%dma_start3A_254 : memref<4x1024xf32, #tpu.memory_space<vmem>>) target_semaphore(%arg8 : memref<!tpu.dma_semaphore, #tpu.memory_space<semaphore_mem>>)
        %dma_start3A_257 = arith.constant 0 : i32
        %dma_start3A_258 = arith.constant 0 : i32
        %dma_start3A_259 = arith.constant 0 : i32
        %dma_start3A_260 = arith.constant 0 : i32
        %dma_start3A_261 = tpu.memref_slice %arg6[%dma_start3A_257, %dma_start3A_258, %dma_start3A_259, %dma_start3A_260] : memref<2x4x4x1024xf32, #tpu.memory_space<vmem>> -> memref<1x4x4x1024xf32, #tpu.memory_space<vmem>>
        %dma_start3A_262 = tpu.memref_squeeze %dma_start3A_261 : memref<1x4x4x1024xf32, #tpu.memory_space<vmem>> -> memref<4x4x1024xf32, #tpu.memory_space<vmem>>
        %dma_start3A_263 = arith.constant 0 : i32
        %dma_start3A_264 = arith.constant 0 : i32
        %dma_start3A_265 = tpu.memref_slice %arg2[%dma_start3A_263, %add3A_243, %dma_start3A_264] : memref<4x2048x1024xf32, #tpu.memory_space<hbm>> -> memref<4x4x1024xf32, #tpu.memory_space<hbm>>
        %dma_start3A_266 = arith.constant 0 : i32
        %dma_start3A_267 = arith.constant 0 : i32
        %dma_start3A_268 = arith.constant 0 : i32
        %dma_start3A_269 = tpu.memref_slice %arg6[%dma_start3A_257, %dma_start3A_266, %dma_start3A_267, %dma_start3A_268] : memref<2x4x4x1024xf32, #tpu.memory_space<vmem>> -> memref<1x4x4x1024xf32, #tpu.memory_space<vmem>>
        %dma_start3A_270 = tpu.memref_squeeze %dma_start3A_269 : memref<1x4x4x1024xf32, #tpu.memory_space<vmem>> -> memref<4x4x1024xf32, #tpu.memory_space<vmem>>
        %dma_start3A_271 = arith.constant 0 : i32
        %dma_start3A_272 = arith.constant 0 : i32
        %dma_start3A_273 = tpu.memref_slice %arg2[%dma_start3A_271, %add3A_243, %dma_start3A_272] : memref<4x2048x1024xf32, #tpu.memory_space<hbm>> -> memref<4x4x1024xf32, #tpu.memory_space<hbm>>
        tpu.enqueue_dma source(%dma_start3A_273 : memref<4x4x1024xf32, #tpu.memory_space<hbm>>) target(%dma_start3A_270 : memref<4x4x1024xf32, #tpu.memory_space<vmem>>) target_semaphore(%arg8 : memref<!tpu.dma_semaphore, #tpu.memory_space<semaphore_mem>>)
      } else {
      }
      %mul3A_171 = arith.constant 2 : i32
      %mul3A_172 = arith.muli %mul3A_171, %scan3A_105 : i32
      %add3A_173 = arith.constant 1 : i32
      %add3A_174 = arith.addi %mul3A_172, %add3A_173 : i32
      %dma_wait3A_175 = arith.constant 1 : i32
      %dma_wait3A_176 = arith.constant 0 : i32
      %dma_wait3A_177 = arith.constant 0 : i32
      %dma_wait3A_178 = tpu.memref_slice %arg5[%dma_wait3A_175, %dma_wait3A_176, %dma_wait3A_177] : memref<2x4x1024xf32, #tpu.memory_space<vmem>> -> memref<1x4x1024xf32, #tpu.memory_space<vmem>>
      %dma_wait3A_179 = tpu.memref_squeeze %dma_wait3A_178 : memref<1x4x1024xf32, #tpu.memory_space<vmem>> -> memref<4x1024xf32, #tpu.memory_space<vmem>>
      %dma_wait3A_180 = arith.constant 0 : i32
      %dma_wait3A_181 = tpu.memref_slice %arg3[%mul3A_2, %dma_wait3A_180] : memref<2048x1024xf32, #tpu.memory_space<hbm>> -> memref<4x1024xf32, #tpu.memory_space<hbm>>
      %dma_wait3A_182 = arith.constant 0 : i32
      %dma_wait3A_183 = arith.constant 0 : i32
      %dma_wait3A_184 = tpu.memref_slice %arg5[%dma_wait3A_175, %dma_wait3A_182, %dma_wait3A_183] : memref<2x4x1024xf32, #tpu.memory_space<vmem>> -> memref<1x4x1024xf32, #tpu.memory_space<vmem>>
      %dma_wait3A_185 = tpu.memref_squeeze %dma_wait3A_184 : memref<1x4x1024xf32, #tpu.memory_space<vmem>> -> memref<4x1024xf32, #tpu.memory_space<vmem>>
      %dma_wait3A_186 = arith.constant 0 : i32
      %dma_wait3A_187 = tpu.memref_slice %arg3[%mul3A_2, %dma_wait3A_186] : memref<2048x1024xf32, #tpu.memory_space<hbm>> -> memref<4x1024xf32, #tpu.memory_space<hbm>>
      tpu.wait_dma2 semaphore(%arg9 : memref<!tpu.dma_semaphore, #tpu.memory_space<semaphore_mem>>) src(%dma_wait3A_187 : memref<4x1024xf32, #tpu.memory_space<hbm>>) dst(%dma_wait3A_185 : memref<4x1024xf32, #tpu.memory_space<vmem>>)
      %dma_wait3A_188 = arith.constant 1 : i32
      %dma_wait3A_189 = arith.constant 0 : i32
      %dma_wait3A_190 = arith.constant 0 : i32
      %dma_wait3A_191 = arith.constant 0 : i32
      %dma_wait3A_192 = tpu.memref_slice %arg6[%dma_wait3A_188, %dma_wait3A_189, %dma_wait3A_190, %dma_wait3A_191] : memref<2x4x4x1024xf32, #tpu.memory_space<vmem>> -> memref<1x4x4x1024xf32, #tpu.memory_space<vmem>>
      %dma_wait3A_193 = tpu.memref_squeeze %dma_wait3A_192 : memref<1x4x4x1024xf32, #tpu.memory_space<vmem>> -> memref<4x4x1024xf32, #tpu.memory_space<vmem>>
      %dma_wait3A_194 = arith.constant 0 : i32
      %dma_wait3A_195 = arith.constant 0 : i32
      %dma_wait3A_196 = tpu.memref_slice %arg2[%dma_wait3A_194, %mul3A_2, %dma_wait3A_195] : memref<4x2048x1024xf32, #tpu.memory_space<hbm>> -> memref<4x4x1024xf32, #tpu.memory_space<hbm>>
      %dma_wait3A_197 = arith.constant 0 : i32
      %dma_wait3A_198 = arith.constant 0 : i32
      %dma_wait3A_199 = arith.constant 0 : i32
      %dma_wait3A_200 = tpu.memref_slice %arg6[%dma_wait3A_188, %dma_wait3A_197, %dma_wait3A_198, %dma_wait3A_199] : memref<2x4x4x1024xf32, #tpu.memory_space<vmem>> -> memref<1x4x4x1024xf32, #tpu.memory_space<vmem>>
      %dma_wait3A_201 = tpu.memref_squeeze %dma_wait3A_200 : memref<1x4x4x1024xf32, #tpu.memory_space<vmem>> -> memref<4x4x1024xf32, #tpu.memory_space<vmem>>
      %dma_wait3A_202 = arith.constant 0 : i32
      %dma_wait3A_203 = arith.constant 0 : i32
      %dma_wait3A_204 = tpu.memref_slice %arg2[%dma_wait3A_202, %mul3A_2, %dma_wait3A_203] : memref<4x2048x1024xf32, #tpu.memory_space<hbm>> -> memref<4x4x1024xf32, #tpu.memory_space<hbm>>
      tpu.wait_dma2 semaphore(%arg9 : memref<!tpu.dma_semaphore, #tpu.memory_space<semaphore_mem>>) src(%dma_wait3A_204 : memref<4x4x1024xf32, #tpu.memory_space<hbm>>) dst(%dma_wait3A_201 : memref<4x4x1024xf32, #tpu.memory_space<vmem>>)
      %ge3A_205 = arith.constant 2 : i32
      %ge3A_206 = arith.cmpi sge, %add3A_174, %ge3A_205 : i32
      %convert_element_type3A_207 = arith.extui %ge3A_206 : i1 to i32
      %cond3A_208 = arith.constant 0 : i32
      %cond3A_209 = arith.cmpi ne, %convert_element_type3A_207, %cond3A_208 : i32
      scf.if %cond3A_209 {
        %dma_wait3A_241 = arith.constant 1 : i32
        %dma_wait3A_242 = arith.constant 0 : i32
        %dma_wait3A_243 = arith.constant 0 : i32
        %dma_wait3A_244 = arith.constant 0 : i32
        %dma_wait3A_245 = tpu.memref_slice %arg7[%dma_wait3A_241, %dma_wait3A_242, %dma_wait3A_243, %dma_wait3A_244] : memref<2x4x4x1024xf32, #tpu.memory_space<vmem>> -> memref<1x4x4x1024xf32, #tpu.memory_space<vmem>>
        %dma_wait3A_246 = tpu.memref_squeeze %dma_wait3A_245 : memref<1x4x4x1024xf32, #tpu.memory_space<vmem>> -> memref<4x4x1024xf32, #tpu.memory_space<vmem>>
        %dma_wait3A_247 = arith.constant 0 : i32
        %dma_wait3A_248 = arith.constant 0 : i32
        %dma_wait3A_249 = tpu.memref_slice %arg4[%dma_wait3A_247, %mul3A_2, %dma_wait3A_248] : memref<4x2048x1024xf32, #tpu.memory_space<hbm>> -> memref<4x4x1024xf32, #tpu.memory_space<hbm>>
        %dma_wait3A_250 = arith.constant 0 : i32
        %dma_wait3A_251 = arith.constant 0 : i32
        %dma_wait3A_252 = tpu.memref_slice %arg4[%dma_wait3A_250, %mul3A_2, %dma_wait3A_251] : memref<4x2048x1024xf32, #tpu.memory_space<hbm>> -> memref<4x4x1024xf32, #tpu.memory_space<hbm>>
        %dma_wait3A_253 = arith.constant 0 : i32
        %dma_wait3A_254 = arith.constant 0 : i32
        %dma_wait3A_255 = arith.constant 0 : i32
        %dma_wait3A_256 = tpu.memref_slice %arg7[%dma_wait3A_241, %dma_wait3A_253, %dma_wait3A_254, %dma_wait3A_255] : memref<2x4x4x1024xf32, #tpu.memory_space<vmem>> -> memref<1x4x4x1024xf32, #tpu.memory_space<vmem>>
        %dma_wait3A_257 = tpu.memref_squeeze %dma_wait3A_256 : memref<1x4x4x1024xf32, #tpu.memory_space<vmem>> -> memref<4x4x1024xf32, #tpu.memory_space<vmem>>
        tpu.wait_dma2 semaphore(%arg11 : memref<!tpu.dma_semaphore, #tpu.memory_space<semaphore_mem>>) src(%dma_wait3A_257 : memref<4x4x1024xf32, #tpu.memory_space<vmem>>) dst(%dma_wait3A_252 : memref<4x4x1024xf32, #tpu.memory_space<hbm>>)
      } else {
      }
      %parallel_loop3A_210 = arith.constant 0 : i32
      %parallel_loop3A_211 = arith.constant 256 : i32
      %parallel_loop3A_212 = arith.constant 1 : i32
      scf.for %parallel_loop3A_241 = %parallel_loop3A_210 to %parallel_loop3A_211 step %parallel_loop3A_212  : i32 {
        %parallel_loop3A_242 = arith.constant 6 : i32
        %parallel_loop3A_243 = arith.shrui %parallel_loop3A_241, %parallel_loop3A_242 : i32
        %parallel_loop3A_244 = arith.constant 64 : i32
        %parallel_loop3A_245 = arith.remsi %parallel_loop3A_241, %parallel_loop3A_244 : i32
        %parallel_loop3A_246 = arith.constant 16 : i32
        %parallel_loop3A_247 = arith.muli %parallel_loop3A_245, %parallel_loop3A_246 : i32
        %parallel_loop3A_248 = tpu.assume_multiple %parallel_loop3A_247, 16 : i32
        %parallel_loop3A_249 = arith.constant 1 : i32
        %parallel_loop3A_250 = arith.index_cast %parallel_loop3A_249 : i32 to index
        %parallel_loop3A_251 = arith.index_cast %parallel_loop3A_243 : i32 to index
        %parallel_loop3A_252 = arith.index_cast %parallel_loop3A_248 : i32 to index
        %parallel_loop3A_253 = tpu.vector_load %arg5[%parallel_loop3A_250, %parallel_loop3A_251, %parallel_loop3A_252] {strides = array<i32>} : memref<2x4x1024xf32, #tpu.memory_space<vmem>>, vector<1x1x16xf32>,
        %parallel_loop3A_254 = vector.shape_cast %parallel_loop3A_253 : vector<1x1x16xf32> to vector<16xf32>
        %parallel_loop3A_255 = arith.constant 1 : i32
        %parallel_loop3A_256 = arith.constant 0 : i32
        %parallel_loop3A_257 = arith.index_cast %parallel_loop3A_255 : i32 to index
        %parallel_loop3A_258 = arith.index_cast %parallel_loop3A_256 : i32 to index
        %parallel_loop3A_259 = arith.index_cast %parallel_loop3A_243 : i32 to index
        %parallel_loop3A_260 = arith.index_cast %parallel_loop3A_248 : i32 to index
        %parallel_loop3A_261 = tpu.vector_load %arg6[%parallel_loop3A_257, %parallel_loop3A_258, %parallel_loop3A_259, %parallel_loop3A_260] {strides = array<i32>} : memref<2x4x4x1024xf32, #tpu.memory_space<vmem>>, vector<1x1x1x16xf32>,
        %parallel_loop3A_262 = vector.shape_cast %parallel_loop3A_261 : vector<1x1x1x16xf32> to vector<16xf32>
        %parallel_loop3A_263 = arith.addf %parallel_loop3A_262, %parallel_loop3A_254 : vector<16xf32>
        %parallel_loop3A_264 = arith.constant 1 : i32
        %parallel_loop3A_265 = arith.constant 0 : i32
        %parallel_loop3A_266 = arith.index_cast %parallel_loop3A_264 : i32 to index
        %parallel_loop3A_267 = arith.index_cast %parallel_loop3A_265 : i32 to index
        %parallel_loop3A_268 = arith.index_cast %parallel_loop3A_243 : i32 to index
        %parallel_loop3A_269 = arith.index_cast %parallel_loop3A_248 : i32 to index
        %parallel_loop3A_270 = tpu.vector_load %arg7[%parallel_loop3A_266, %parallel_loop3A_267, %parallel_loop3A_268, %parallel_loop3A_269] {strides = array<i32>} : memref<2x4x4x1024xf32, #tpu.memory_space<vmem>>, vector<1x1x1x16xf32>,
        %parallel_loop3A_271 = vector.shape_cast %parallel_loop3A_270 : vector<1x1x1x16xf32> to vector<16xf32>
        %parallel_loop3A_272 = vector.shape_cast %parallel_loop3A_263 : vector<16xf32> to vector<1x1x1x16xf32>
        tpu.vector_store %arg7[%parallel_loop3A_266, %parallel_loop3A_267, %parallel_loop3A_268, %parallel_loop3A_269], %parallel_loop3A_272 {strides = array<i32>} : memref<2x4x4x1024xf32, #tpu.memory_space<vmem>>, vector<1x1x1x16xf32>,
        %parallel_loop3A_273 = arith.constant 1 : i32
        %parallel_loop3A_274 = arith.constant 1 : i32
        %parallel_loop3A_275 = arith.index_cast %parallel_loop3A_273 : i32 to index
        %parallel_loop3A_276 = arith.index_cast %parallel_loop3A_274 : i32 to index
        %parallel_loop3A_277 = arith.index_cast %parallel_loop3A_243 : i32 to index
        %parallel_loop3A_278 = arith.index_cast %parallel_loop3A_248 : i32 to index
        %parallel_loop3A_279 = tpu.vector_load %arg6[%parallel_loop3A_275, %parallel_loop3A_276, %parallel_loop3A_277, %parallel_loop3A_278] {strides = array<i32>} : memref<2x4x4x1024xf32, #tpu.memory_space<vmem>>, vector<1x1x1x16xf32>,
        %parallel_loop3A_280 = vector.shape_cast %parallel_loop3A_279 : vector<1x1x1x16xf32> to vector<16xf32>
        %parallel_loop3A_281 = arith.addf %parallel_loop3A_280, %parallel_loop3A_254 : vector<16xf32>
        %parallel_loop3A_282 = arith.constant 1 : i32
        %parallel_loop3A_283 = arith.constant 1 : i32
        %parallel_loop3A_284 = arith.index_cast %parallel_loop3A_282 : i32 to index
        %parallel_loop3A_285 = arith.index_cast %parallel_loop3A_283 : i32 to index
        %parallel_loop3A_286 = arith.index_cast %parallel_loop3A_243 : i32 to index
        %parallel_loop3A_287 = arith.index_cast %parallel_loop3A_248 : i32 to index
        %parallel_loop3A_288 = tpu.vector_load %arg7[%parallel_loop3A_284, %parallel_loop3A_285, %parallel_loop3A_286, %parallel_loop3A_287] {strides = array<i32>} : memref<2x4x4x1024xf32, #tpu.memory_space<vmem>>, vector<1x1x1x16xf32>,
        %parallel_loop3A_289 = vector.shape_cast %parallel_loop3A_288 : vector<1x1x1x16xf32> to vector<16xf32>
        %parallel_loop3A_290 = vector.shape_cast %parallel_loop3A_281 : vector<16xf32> to vector<1x1x1x16xf32>
        tpu.vector_store %arg7[%parallel_loop3A_284, %parallel_loop3A_285, %parallel_loop3A_286, %parallel_loop3A_287], %parallel_loop3A_290 {strides = array<i32>} : memref<2x4x4x1024xf32, #tpu.memory_space<vmem>>, vector<1x1x1x16xf32>,
        %parallel_loop3A_291 = arith.constant 1 : i32
        %parallel_loop3A_292 = arith.constant 2 : i32
        %parallel_loop3A_293 = arith.index_cast %parallel_loop3A_291 : i32 to index
        %parallel_loop3A_294 = arith.index_cast %parallel_loop3A_292 : i32 to index
        %parallel_loop3A_295 = arith.index_cast %parallel_loop3A_243 : i32 to index
        %parallel_loop3A_296 = arith.index_cast %parallel_loop3A_248 : i32 to index
        %parallel_loop3A_297 = tpu.vector_load %arg6[%parallel_loop3A_293, %parallel_loop3A_294, %parallel_loop3A_295, %parallel_loop3A_296] {strides = array<i32>} : memref<2x4x4x1024xf32, #tpu.memory_space<vmem>>, vector<1x1x1x16xf32>,
        %parallel_loop3A_298 = vector.shape_cast %parallel_loop3A_297 : vector<1x1x1x16xf32> to vector<16xf32>
        %parallel_loop3A_299 = arith.addf %parallel_loop3A_298, %parallel_loop3A_254 : vector<16xf32>
        %parallel_loop3A_300 = arith.constant 1 : i32
        %parallel_loop3A_301 = arith.constant 2 : i32
        %parallel_loop3A_302 = arith.index_cast %parallel_loop3A_300 : i32 to index
        %parallel_loop3A_303 = arith.index_cast %parallel_loop3A_301 : i32 to index
        %parallel_loop3A_304 = arith.index_cast %parallel_loop3A_243 : i32 to index
        %parallel_loop3A_305 = arith.index_cast %parallel_loop3A_248 : i32 to index
        %parallel_loop3A_306 = tpu.vector_load %arg7[%parallel_loop3A_302, %parallel_loop3A_303, %parallel_loop3A_304, %parallel_loop3A_305] {strides = array<i32>} : memref<2x4x4x1024xf32, #tpu.memory_space<vmem>>, vector<1x1x1x16xf32>,
        %parallel_loop3A_307 = vector.shape_cast %parallel_loop3A_306 : vector<1x1x1x16xf32> to vector<16xf32>
        %parallel_loop3A_308 = vector.shape_cast %parallel_loop3A_299 : vector<16xf32> to vector<1x1x1x16xf32>
        tpu.vector_store %arg7[%parallel_loop3A_302, %parallel_loop3A_303, %parallel_loop3A_304, %parallel_loop3A_305], %parallel_loop3A_308 {strides = array<i32>} : memref<2x4x4x1024xf32, #tpu.memory_space<vmem>>, vector<1x1x1x16xf32>,
        %parallel_loop3A_309 = arith.constant 1 : i32
        %parallel_loop3A_310 = arith.constant 3 : i32
        %parallel_loop3A_311 = arith.index_cast %parallel_loop3A_309 : i32 to index
        %parallel_loop3A_312 = arith.index_cast %parallel_loop3A_310 : i32 to index
        %parallel_loop3A_313 = arith.index_cast %parallel_loop3A_243 : i32 to index
        %parallel_loop3A_314 = arith.index_cast %parallel_loop3A_248 : i32 to index
        %parallel_loop3A_315 = tpu.vector_load %arg6[%parallel_loop3A_311, %parallel_loop3A_312, %parallel_loop3A_313, %parallel_loop3A_314] {strides = array<i32>} : memref<2x4x4x1024xf32, #tpu.memory_space<vmem>>, vector<1x1x1x16xf32>,
        %parallel_loop3A_316 = vector.shape_cast %parallel_loop3A_315 : vector<1x1x1x16xf32> to vector<16xf32>
        %parallel_loop3A_317 = arith.addf %parallel_loop3A_316, %parallel_loop3A_254 : vector<16xf32>
        %parallel_loop3A_318 = arith.constant 1 : i32
        %parallel_loop3A_319 = arith.constant 3 : i32
        %parallel_loop3A_320 = arith.index_cast %parallel_loop3A_318 : i32 to index
        %parallel_loop3A_321 = arith.index_cast %parallel_loop3A_319 : i32 to index
        %parallel_loop3A_322 = arith.index_cast %parallel_loop3A_243 : i32 to index
        %parallel_loop3A_323 = arith.index_cast %parallel_loop3A_248 : i32 to index
        %parallel_loop3A_324 = tpu.vector_load %arg7[%parallel_loop3A_320, %parallel_loop3A_321, %parallel_loop3A_322, %parallel_loop3A_323] {strides = array<i32>} : memref<2x4x4x1024xf32, #tpu.memory_space<vmem>>, vector<1x1x1x16xf32>,
        %parallel_loop3A_325 = vector.shape_cast %parallel_loop3A_324 : vector<1x1x1x16xf32> to vector<16xf32>
        %parallel_loop3A_326 = vector.shape_cast %parallel_loop3A_317 : vector<16xf32> to vector<1x1x1x16xf32>
        tpu.vector_store %arg7[%parallel_loop3A_320, %parallel_loop3A_321, %parallel_loop3A_322, %parallel_loop3A_323], %parallel_loop3A_326 {strides = array<i32>} : memref<2x4x4x1024xf32, #tpu.memory_space<vmem>>, vector<1x1x1x16xf32>,
      } {sc.loop_unroll_factor = 4 : i64, sc.parallel_access}
      %mul3A_213 = arith.constant 4 : i32
      %mul3A_214 = arith.muli %add3A_174, %mul3A_213 : i32
      %add3A_215 = arith.addi %mul3A_2, %mul3A_214 : i32
      %dma_start3A_216 = arith.constant 1 : i32
      %dma_start3A_217 = arith.constant 0 : i32
      %dma_start3A_218 = arith.constant 0 : i32
      %dma_start3A_219 = arith.constant 0 : i32
      %dma_start3A_220 = tpu.memref_slice %arg7[%dma_start3A_216, %dma_start3A_217, %dma_start3A_218, %dma_start3A_219] : memref<2x4x4x1024xf32, #tpu.memory_space<vmem>> -> memref<1x4x4x1024xf32, #tpu.memory_space<vmem>>
      %dma_start3A_221 = tpu.memref_squeeze %dma_start3A_220 : memref<1x4x4x1024xf32, #tpu.memory_space<vmem>> -> memref<4x4x1024xf32, #tpu.memory_space<vmem>>
      %dma_start3A_222 = arith.constant 0 : i32
      %dma_start3A_223 = arith.constant 0 : i32
      %dma_start3A_224 = tpu.memref_slice %arg4[%dma_start3A_222, %add3A_215, %dma_start3A_223] : memref<4x2048x1024xf32, #tpu.memory_space<hbm>> -> memref<4x4x1024xf32, #tpu.memory_space<hbm>>
      %dma_start3A_225 = arith.constant 0 : i32
      %dma_start3A_226 = arith.constant 0 : i32
      %dma_start3A_227 = tpu.memref_slice %arg4[%dma_start3A_225, %add3A_215, %dma_start3A_226] : memref<4x2048x1024xf32, #tpu.memory_space<hbm>> -> memref<4x4x1024xf32, #tpu.memory_space<hbm>>
      %dma_start3A_228 = arith.constant 0 : i32
      %dma_start3A_229 = arith.constant 0 : i32
      %dma_start3A_230 = arith.constant 0 : i32
      %dma_start3A_231 = tpu.memref_slice %arg7[%dma_start3A_216, %dma_start3A_228, %dma_start3A_229, %dma_start3A_230] : memref<2x4x4x1024xf32, #tpu.memory_space<vmem>> -> memref<1x4x4x1024xf32, #tpu.memory_space<vmem>>
      %dma_start3A_232 = tpu.memref_squeeze %dma_start3A_231 : memref<1x4x4x1024xf32, #tpu.memory_space<vmem>> -> memref<4x4x1024xf32, #tpu.memory_space<vmem>>
      tpu.enqueue_dma source(%dma_start3A_232 : memref<4x4x1024xf32, #tpu.memory_space<vmem>>) target(%dma_start3A_227 : memref<4x4x1024xf32, #tpu.memory_space<hbm>>) target_semaphore(%arg11 : memref<!tpu.dma_semaphore, #tpu.memory_space<semaphore_mem>>)
      %add3A_233 = arith.constant 2 : i32
      %add3A_234 = arith.addi %add3A_174, %add3A_233 : i32
      %lt3A_235 = arith.constant 16 : i32
      %lt3A_236 = arith.cmpi slt, %add3A_234, %lt3A_235 : i32
      %convert_element_type3A_237 = arith.extui %lt3A_236 : i1 to i32
      %cond3A_238 = arith.constant 0 : i32
      %cond3A_239 = arith.cmpi ne, %convert_element_type3A_237, %cond3A_238 : i32
      scf.if %cond3A_239 {
        %mul3A_241 = arith.constant 4 : i32
        %mul3A_242 = arith.muli %add3A_234, %mul3A_241 : i32
        %add3A_243 = arith.addi %mul3A_2, %mul3A_242 : i32
        %dma_start3A_244 = arith.constant 1 : i32
        %dma_start3A_245 = arith.constant 0 : i32
        %dma_start3A_246 = arith.constant 0 : i32
        %dma_start3A_247 = tpu.memref_slice %arg5[%dma_start3A_244, %dma_start3A_245, %dma_start3A_246] : memref<2x4x1024xf32, #tpu.memory_space<vmem>> -> memref<1x4x1024xf32, #tpu.memory_space<vmem>>
        %dma_start3A_248 = tpu.memref_squeeze %dma_start3A_247 : memref<1x4x1024xf32, #tpu.memory_space<vmem>> -> memref<4x1024xf32, #tpu.memory_space<vmem>>
        %dma_start3A_249 = arith.constant 0 : i32
        %dma_start3A_250 = tpu.memref_slice %arg3[%add3A_243, %dma_start3A_249] : memref<2048x1024xf32, #tpu.memory_space<hbm>> -> memref<4x1024xf32, #tpu.memory_space<hbm>>
        %dma_start3A_251 = arith.constant 0 : i32
        %dma_start3A_252 = arith.constant 0 : i32
        %dma_start3A_253 = tpu.memref_slice %arg5[%dma_start3A_244, %dma_start3A_251, %dma_start3A_252] : memref<2x4x1024xf32, #tpu.memory_space<vmem>> -> memref<1x4x1024xf32, #tpu.memory_space<vmem>>
        %dma_start3A_254 = tpu.memref_squeeze %dma_start3A_253 : memref<1x4x1024xf32, #tpu.memory_space<vmem>> -> memref<4x1024xf32, #tpu.memory_space<vmem>>
        %dma_start3A_255 = arith.constant 0 : i32
        %dma_start3A_256 = tpu.memref_slice %arg3[%add3A_243, %dma_start3A_255] : memref<2048x1024xf32, #tpu.memory_space<hbm>> -> memref<4x1024xf32, #tpu.memory_space<hbm>>
        tpu.enqueue_dma source(%dma_start3A_256 : memref<4x1024xf32, #tpu.memory_space<hbm>>) target(%dma_start3A_254 : memref<4x1024xf32, #tpu.memory_space<vmem>>) target_semaphore(%arg9 : memref<!tpu.dma_semaphore, #tpu.memory_space<semaphore_mem>>)
        %dma_start3A_257 = arith.constant 1 : i32
        %dma_start3A_258 = arith.constant 0 : i32
        %dma_start3A_259 = arith.constant 0 : i32
        %dma_start3A_260 = arith.constant 0 : i32
        %dma_start3A_261 = tpu.memref_slice %arg6[%dma_start3A_257, %dma_start3A_258, %dma_start3A_259, %dma_start3A_260] : memref<2x4x4x1024xf32, #tpu.memory_space<vmem>> -> memref<1x4x4x1024xf32, #tpu.memory_space<vmem>>
        %dma_start3A_262 = tpu.memref_squeeze %dma_start3A_261 : memref<1x4x4x1024xf32, #tpu.memory_space<vmem>> -> memref<4x4x1024xf32, #tpu.memory_space<vmem>>
        %dma_start3A_263 = arith.constant 0 : i32
        %dma_start3A_264 = arith.constant 0 : i32
        %dma_start3A_265 = tpu.memref_slice %arg2[%dma_start3A_263, %add3A_243, %dma_start3A_264] : memref<4x2048x1024xf32, #tpu.memory_space<hbm>> -> memref<4x4x1024xf32, #tpu.memory_space<hbm>>
        %dma_start3A_266 = arith.constant 0 : i32
        %dma_start3A_267 = arith.constant 0 : i32
        %dma_start3A_268 = arith.constant 0 : i32
        %dma_start3A_269 = tpu.memref_slice %arg6[%dma_start3A_257, %dma_start3A_266, %dma_start3A_267, %dma_start3A_268] : memref<2x4x4x1024xf32, #tpu.memory_space<vmem>> -> memref<1x4x4x1024xf32, #tpu.memory_space<vmem>>
        %dma_start3A_270 = tpu.memref_squeeze %dma_start3A_269 : memref<1x4x4x1024xf32, #tpu.memory_space<vmem>> -> memref<4x4x1024xf32, #tpu.memory_space<vmem>>
        %dma_start3A_271 = arith.constant 0 : i32
        %dma_start3A_272 = arith.constant 0 : i32
        %dma_start3A_273 = tpu.memref_slice %arg2[%dma_start3A_271, %add3A_243, %dma_start3A_272] : memref<4x2048x1024xf32, #tpu.memory_space<hbm>> -> memref<4x4x1024xf32, #tpu.memory_space<hbm>>
        tpu.enqueue_dma source(%dma_start3A_273 : memref<4x4x1024xf32, #tpu.memory_space<hbm>>) target(%dma_start3A_270 : memref<4x4x1024xf32, #tpu.memory_space<vmem>>) target_semaphore(%arg9 : memref<!tpu.dma_semaphore, #tpu.memory_space<semaphore_mem>>)
      } else {
      }
      %scan3A_240 = arith.constant 0 : i32
      scf.yield %scan3A_240 : i32
    }
    %scan3A_71 = arith.constant 8 : i32
    %dma_wait3A = arith.constant 0 : i32
    %dma_wait3A_72 = arith.constant 0 : i32
    %dma_wait3A_73 = arith.constant 0 : i32
    %dma_wait3A_74 = arith.constant 0 : i32
    %dma_wait3A_75 = tpu.memref_slice %arg7[%dma_wait3A, %dma_wait3A_72, %dma_wait3A_73, %dma_wait3A_74] : memref<2x4x4x1024xf32, #tpu.memory_space<vmem>> -> memref<1x4x4x1024xf32, #tpu.memory_space<vmem>>
    %dma_wait3A_76 = tpu.memref_squeeze %dma_wait3A_75 : memref<1x4x4x1024xf32, #tpu.memory_space<vmem>> -> memref<4x4x1024xf32, #tpu.memory_space<vmem>>
    %dma_wait3A_77 = arith.constant 0 : i32
    %dma_wait3A_78 = arith.constant 0 : i32
    %dma_wait3A_79 = tpu.memref_slice %arg4[%dma_wait3A_77, %mul3A_2, %dma_wait3A_78] : memref<4x2048x1024xf32, #tpu.memory_space<hbm>> -> memref<4x4x1024xf32, #tpu.memory_space<hbm>>
    %dma_wait3A_80 = arith.constant 0 : i32
    %dma_wait3A_81 = arith.constant 0 : i32
    %dma_wait3A_82 = tpu.memref_slice %arg4[%dma_wait3A_80, %mul3A_2, %dma_wait3A_81] : memref<4x2048x1024xf32, #tpu.memory_space<hbm>> -> memref<4x4x1024xf32, #tpu.memory_space<hbm>>
    %dma_wait3A_83 = arith.constant 0 : i32
    %dma_wait3A_84 = arith.constant 0 : i32
    %dma_wait3A_85 = arith.constant 0 : i32
    %dma_wait3A_86 = tpu.memref_slice %arg7[%dma_wait3A, %dma_wait3A_83, %dma_wait3A_84, %dma_wait3A_85] : memref<2x4x4x1024xf32, #tpu.memory_space<vmem>> -> memref<1x4x4x1024xf32, #tpu.memory_space<vmem>>
    %dma_wait3A_87 = tpu.memref_squeeze %dma_wait3A_86 : memref<1x4x4x1024xf32, #tpu.memory_space<vmem>> -> memref<4x4x1024xf32, #tpu.memory_space<vmem>>
    tpu.wait_dma2 semaphore(%arg10 : memref<!tpu.dma_semaphore, #tpu.memory_space<semaphore_mem>>) src(%dma_wait3A_87 : memref<4x4x1024xf32, #tpu.memory_space<vmem>>) dst(%dma_wait3A_82 : memref<4x4x1024xf32, #tpu.memory_space<hbm>>)
    %dma_wait3A_88 = arith.constant 1 : i32
    %dma_wait3A_89 = arith.constant 0 : i32
    %dma_wait3A_90 = arith.constant 0 : i32
    %dma_wait3A_91 = arith.constant 0 : i32
    %dma_wait3A_92 = tpu.memref_slice %arg7[%dma_wait3A_88, %dma_wait3A_89, %dma_wait3A_90, %dma_wait3A_91] : memref<2x4x4x1024xf32, #tpu.memory_space<vmem>> -> memref<1x4x4x1024xf32, #tpu.memory_space<vmem>>
    %dma_wait3A_93 = tpu.memref_squeeze %dma_wait3A_92 : memref<1x4x4x1024xf32, #tpu.memory_space<vmem>> -> memref<4x4x1024xf32, #tpu.memory_space<vmem>>
    %dma_wait3A_94 = arith.constant 0 : i32
    %dma_wait3A_95 = arith.constant 0 : i32
    %dma_wait3A_96 = tpu.memref_slice %arg4[%dma_wait3A_94, %mul3A_2, %dma_wait3A_95] : memref<4x2048x1024xf32, #tpu.memory_space<hbm>> -> memref<4x4x1024xf32, #tpu.memory_space<hbm>>
    %dma_wait3A_97 = arith.constant 0 : i32
    %dma_wait3A_98 = arith.constant 0 : i32
    %dma_wait3A_99 = tpu.memref_slice %arg4[%dma_wait3A_97, %mul3A_2, %dma_wait3A_98] : memref<4x2048x1024xf32, #tpu.memory_space<hbm>> -> memref<4x4x1024xf32, #tpu.memory_space<hbm>>
    %dma_wait3A_100 = arith.constant 0 : i32
    %dma_wait3A_101 = arith.constant 0 : i32
    %dma_wait3A_102 = arith.constant 0 : i32
    %dma_wait3A_103 = tpu.memref_slice %arg7[%dma_wait3A_88, %dma_wait3A_100, %dma_wait3A_101, %dma_wait3A_102] : memref<2x4x4x1024xf32, #tpu.memory_space<vmem>> -> memref<1x4x4x1024xf32, #tpu.memory_space<vmem>>
    %dma_wait3A_104 = tpu.memref_squeeze %dma_wait3A_103 : memref<1x4x4x1024xf32, #tpu.memory_space<vmem>> -> memref<4x4x1024xf32, #tpu.memory_space<vmem>>
    tpu.wait_dma2 semaphore(%arg11 : memref<!tpu.dma_semaphore, #tpu.memory_space<semaphore_mem>>) src(%dma_wait3A_104 : memref<4x4x1024xf32, #tpu.memory_space<vmem>>) dst(%dma_wait3A_99 : memref<4x4x1024xf32, #tpu.memory_space<hbm>>)
    return
  }
}

</mosaic_0001>

<sc_bundles>
// kernel: kernel.3.cloned.1.call-start
scs
__scs_entry_jumppad:
0x0: {  	(pc) =	sbr.rel $0x88, $3  }
0x1: {  	(tag) =	ssettag $0x0;
	lr =	simm.s32 $0x1  }
0x2: {  	[smem:$0x3F9F] =	sst lr;
	_ =	strace $0xD0000000  }
0x3: {  	_ = 	snop  }
0x4: {  	_ = 	snop  }
0x5: {  	_ = 	snop  }
0x6: {  	_ = 	snop  }
0x7: {  	_ = 	snop  }
__scs_overlays_trampoline_lowered:
0x8: {  	[smem:$0x3FAE] =	sst s0  }
0x9: {  	[smem:$0x3FAF] =	sst s1  }
0xa: {  	[smem:$0x3FB0] =	sst s2  }
0xb: {  	[smem:$0x3FB1] =	sst s3  }
0xc: {  	[smem:$0x3FB2] =	sst s4  }
0xd: {  	[smem:$0x3FB3] =	sst s5  }
0xe: {  	[smem:$0x3FB4] =	sst s6  }
0xf: {  	[smem:$0x3FB5] =	sst s7  }
0x10: {  	[smem:$0x3FB6] =	sst s8  }
0x11: {  	[smem:$0x3FB7] =	sst s9;
	s0 =	simm.s32 @!p0 $0x0  }
0x12: {  	s1 =	sld [smem:$0x3F9D];
	s0 =	simm.s32 @p0 $0x1  }
0x13: {  	[smem:$0x3FB8] =	sst s0;
	s0 =	simm.s32 @!p1 $0x0  }
0x14: {  	s2 =	sld [smem:$0x3F9C];
	s0 =	simm.s32 @p1 $0x1  }
0x15: {  	[smem:$0x3FB9] =	sst s0;
	s0 =	simm.s32 @!p2 $0x0  }
0x16: {  	s3 =	sld [smem:$0x3FDB];
	s0 =	simm.s32 @p2 $0x1  }
0x17: {  	s4 =	simm.s32 $0x1BF5;
	[smem:$0x3FBB] =	sst s0  }
0x18: {  	s0 =	sld [smem:$0x3F9E];
	_ =	swait.ge [sflag:s4], $0x0  }
0x19: {  	s7 =	sld [smem:$0x3F9F]  }
0x1a: {  	s8 =	sadd.s32 $0xFFFFE003, lr  }
0x1b: {  	s9 =	sadd.s32 $0xFFFFFEF7, lr;
	s5 =	simm.s32 $0xFFFFFFFF;
	p2 =	slt.u32 s8, $0xFFFFF086  }
0x1c: {  	p1 =	slt.u32 s9, $0xF7A;
	s5 =	simm.s32 @!p2 $0x0  }
0x1d: {  	s5 =	simm.s32 @p1 $0x1;
	p0 =	seq.s32 s7, s2  }
0x1e: {  	s7 =	smul.u32 @!p0 $0xF7A, s2;
	p2 =	seq.s32 @!p0 s5, $0x0  }
0x1f: {  	s9 =	smul.u32 $0xF7A, s1;
	s8 =	simm.s32 @!p0 $0x1BF5;
	p2 =	por !p2, p0  }
0x20: {  	[sflag:s8] =	ssyncset.s32 @!p0 $0xFFFFF086;
	s6 =	sadd.s32 @!p0 s3, s7;
	s7 =	simm.s32 @!p0 $0x108  }
0x21: {  	s3 =	sadd.s32 s3, s9;
	s6 =	sadd.s32 @!p0 $0x88, s6;
	s7 =	simm.s32 @p2 $0x1082  }
0x22: {  	[simem:s7], [sflag:s8] =	dma.local @!p0 [hbm:s6], $0xF7A  }
0x23: {  	s9 =	sor.u32 $0xD0000000, s2;
	s6 =	simm.s32 $0x108;
	_ =	swait.ge @!p0 [sflag:s8], $0x0  }
0x24: {  	s3 =	sadd.s32 $0x88, s3;
	s6 =	simm.s32 @!p1 $0x1082;
	[sflag:s4] =	ssyncset.s32 $0xFFFFF086  }
0x25: {  	[simem:s6], [sflag:s4] =	dma.local [hbm:s3], $0xF7A  }
0x26: {  	[smem:$0x3F9F] =	sst s1;
	(tag) =	ssettag s2;
	_ =	strace s9  }
0x27: {  	s1 =	sld [smem:$0x3FAF]  }
0x28: {  	s2 =	sld [smem:$0x3FB0]  }
0x29: {  	s4 =	sld [smem:$0x3FB2]  }
0x2a: {  	p0 =	seq.s32 s5, $0x0;
	s5 =	sld [smem:$0x3FB3]  }
0x2b: {  	s6 =	sld [smem:$0x3FB4]  }
0x2c: {  	s7 =	sld [smem:$0x3FB5]  }
0x2d: {  	s3 =	simm.s32 $0x108;
	s8 =	sld [smem:$0x3FB6]  }
0x2e: {  	s3 =	simm.s32 @!p0 $0x1082;
	s9 =	sld [smem:$0x3FB7]  }
0x2f: {  	lr =	sadd.s32 s0, s3;
	s0 =	sld [smem:$0x3FAE]  }
0x30: {  	s3 =	sld [smem:$0x3FB1]  }
0x31: {  	[smem:$0x3FBA] =	sst s10  }
0x32: {  	s10 =	sld [smem:$0x3FB8];
	_ =	sdelay $0x3  }
0x33: {  	p0 =	seq.s32 s10, $0x1;
	s10 =	sld [smem:$0x3FBA];
	_ =	sdelay $0x3  }
0x34: {  	[smem:$0x3FBA] =	sst s10  }
0x35: {  	s10 =	sld [smem:$0x3FB9];
	_ =	sdelay $0x3  }
0x36: {  	p1 =	seq.s32 s10, $0x1;
	s10 =	sld [smem:$0x3FBA];
	_ =	sdelay $0x3  }
0x37: {  	[smem:$0x3FBA] =	sst s10  }
0x38: {  	s10 =	sld [smem:$0x3FBB]  }
0x39: {  	_ = 	snop;
	(pc) =	sbr.ind lr, $3  }
0x3a: {  	_ = 	snop  }
0x3b: {  	_ = 	snop  }
0x3c: {  	p2 =	seq.s32 s10, $0x1;
	s10 =	sld [smem:$0x3FBA]  }
0x3d: {  	_ =	shalt  }
0x3e: {  	_ =	shalt  }
0x3f: {  	_ =	shalt  }
0x40: {  	_ =	shalt  }
0x41: {  	_ =	shalt  }
0x42: {  	_ =	shalt  }
0x43: {  	_ =	shalt  }
0x44: {  	_ =	shalt  }
0x45: {  	_ =	shalt  }
0x46: {  	_ =	shalt  }
0x47: {  	_ =	shalt  }
0x48: {  	_ =	shalt  }
0x49: {  	_ =	shalt  }
0x4a: {  	_ =	shalt  }
0x4b: {  	_ =	shalt  }
0x4c: {  	_ =	shalt  }
0x4d: {  	_ =	shalt  }
0x4e: {  	_ =	shalt  }
0x4f: {  	_ =	shalt  }
0x50: {  	_ =	shalt  }
0x51: {  	_ =	shalt  }
0x52: {  	_ =	shalt  }
0x53: {  	_ =	shalt  }
0x54: {  	_ =	shalt  }
0x55: {  	_ =	shalt  }
0x56: {  	_ =	shalt  }
0x57: {  	_ =	shalt  }
0x58: {  	_ =	shalt  }
0x59: {  	_ =	shalt  }
0x5a: {  	_ =	shalt  }
0x5b: {  	_ =	shalt  }
0x5c: {  	_ =	shalt  }
0x5d: {  	_ =	shalt  }
0x5e: {  	_ =	shalt  }
0x5f: {  	_ =	shalt  }
0x60: {  	_ =	shalt  }
0x61: {  	_ =	shalt  }
0x62: {  	_ =	shalt  }
0x63: {  	_ =	shalt  }
0x64: {  	_ =	shalt  }
0x65: {  	_ =	shalt  }
0x66: {  	_ =	shalt  }
0x67: {  	_ =	shalt  }
0x68: {  	_ =	shalt  }
0x69: {  	_ =	shalt  }
0x6a: {  	_ =	shalt  }
0x6b: {  	_ =	shalt  }
0x6c: {  	_ =	shalt  }
0x6d: {  	_ =	shalt  }
0x6e: {  	_ =	shalt  }
0x6f: {  	_ =	shalt  }
0x70: {  	_ =	shalt  }
0x71: {  	_ =	shalt  }
0x72: {  	_ =	shalt  }
0x73: {  	_ =	shalt  }
0x74: {  	_ =	shalt  }
0x75: {  	_ =	shalt  }
0x76: {  	_ =	shalt  }
0x77: {  	_ =	shalt  }
0x78: {  	_ =	shalt  }
0x79: {  	_ =	shalt  }
0x7a: {  	_ =	shalt  }
0x7b: {  	_ =	shalt  }
0x7c: {  	_ =	shalt  }
0x7d: {  	_ =	shalt  }
0x7e: {  	_ =	shalt  }
0x7f: {  	_ =	shalt  }
0x80: {  	_ =	shalt  }
0x81: {  	_ =	shalt  }
0x82: {  	_ =	shalt  }
0x83: {  	_ =	shalt  }
0x84: {  	_ =	shalt  }
0x85: {  	_ =	shalt  }
0x86: {  	_ =	shalt  }
0x87: {  	_ =	shalt  }
.Lfunc_end0:
.L_simem_size_0:
called_computation_lowered:
.L_overlay_start_0:
0x88: {  	s2 =	sld [smem:$0x3FD9]  }
0x89: {  	s3 =	sld [smem:$0x3FFE];
	_ =	sdelay $0x1  }
0x8a: {  	s1 =	srdreg.scid  }
0x8b: {  	s0 =	sand.u32 $0x1, s1  }
0x8c: {  	s18 =	sshll.u32 s0, $0xA;
	s2 =	sadd.s32 s3, s2  }
0x8d: {  	s2 =	sadd.s32 s2, s18  }
0x8e: {  	[smem:$0x3FC6] =	sst s2  }
0x8f: {  	_ = 	snop  }
0x90: {  	s2 =	sld [smem:$0x3FC9]  }
0x91: {  	s19 =	sld [smem:$0x3FC8]  }
0x92: {  	s4 =	sld [smem:$0x3FD0];
	(tm) =	ssettm $0x1  }
0x93: {  	s5 =	sld [smem:$0x3FFB];
	_ =	sdelay $0x3  }
0x94: {  	_ =	strace s5  }
0x95: {  	s5 =	sld [smem:$0x3FFC];
	_ =	sdelay $0x3  }
0x96: {  	_ =	strace s5  }
0x97: {  	s5 =	sld [smem:$0x3FFD];
	_ =	sdelay $0x3  }
0x98: {  	_ =	strace s5  }
0x99: {  	_ =	strace $0x8FFFFFFF  }
0x9a: {  	s20 =	sld [smem:$0x3FDB];
	_ =	sdelay $0x1  }
0x9b: {  	s6 =	simm.s32 $_scs_section_size  }
0x9c: {  	s7 =	simm.s32 $_size__tile_overlayer_lowered;
	s8 =	simm.s32 $_tile_overlayer_lowered  }
0x9d: {  	s23 =	simm.s32 $0x1BFF;
	s22 =	sshll.u32 s8, $0x1;
	s5 =	sadd.s32 s6, s20  }
0x9e: {  	s9 =	simm.s32 $0x0;
	s21 =	sshll.u32 s7, $0x1;
	s7 =	sadd.s32 s22, s5  }
0x9f: {  	[timem:s9], [sflag:s23] =	dma.local [hbm:s7], s21  }
0xa0: {  	_ =	swait.ge [sflag:s23], s21  }
0xa1: {  	s6 =	ssub.s32 $0x0, s21;
	[sflag:s23] =	ssyncset.done $0x0  }
0xa2: {  	[sflag:s23] =	ssyncadd.s32 s6;
	_ =	sdelay $0x1  }
0xa3: {  	s24 =	simm.s32 $0x1B8B  }
0xa4: {  	_ =	swait.ge [sflag:s24], $0x1  }
0xa5: {  	[sflag:s24] =	ssyncset.done $0x0  }
0xa6: {  	s25 =	simm.s32 $0x1B8E;
	[sflag:s24] =	ssyncadd.s32 $0xFFFFFFFF  }
0xa7: {  	s26 =	simm.s32 $execute0_lowered;
	[smem:$0x3FD2] =	sst s25  }
0xa8: {  	s6 =	sshll.u32 s26, $0x1;
	_ =	strace $0x80000046;
	[dreg:$0x1] =	wrdreg $0xFFFFFFFF  }
0xa9: {  	s28 =	simm.s32 $_size_execute0_lowered;
	s5 =	sadd.s32 s5, s6;
	[dreg:$0x0] =	wrdreg $0x0  }
0xaa: {  	s6 =	sshll.u32 s28, $0x1;
	[dreg:$0x2] =	wrdreg s5  }
0xab: {  	[dreg:$0x3] =	wrdreg s6  }
0xac: {  	[dreg:$0x4] =	wrdreg $0xC0  }
0xad: {  	_ =	task [dreg:s9], $0x5FFFF  }
0xae: {  	[dreg:$0x1] =	wrdreg $0xFFFFFFFF  }
0xaf: {  	[dreg:$0x0] =	wrdreg $0x60  }
0xb0: {  	[dreg:$0x2] =	wrdreg s2  }
0xb1: {  	[dreg:$0x3] =	wrdreg s19  }
0xb2: {  	[dreg:$0x4] =	wrdreg s4  }
0xb3: {  	[dreg:$0x5] =	wrdreg $0x9  }
0xb4: {  	_ =	task.clear_ibuf [dreg:s9], $0x6FFFF;
	_ =	strace $0x90000046  }
0xb5: {  	s29 =	simm.s32 $0x9;
	_ =	strace $0x80000048  }
0xb6: {  	_ =	swait.ge [sflag:s29], $0x1  }
0xb7: {  	[sflag:s29] =	ssyncadd.s32 $0xFFFFFFFF  }
0xb8: {  	_ =	strace $0x90000048  }
0xb9: {  	_ =	sfence  }
0xba: {  	s30 =	sld [smem:$0x0];
	_ =	sdelay $0x2  }
0xbb: {  	s31 =	sshll.u32 s1, $0xD;
	s1 =	sshrl.u32 s1, $0x2  }
0xbc: {  	s3 =	sand.u32 $0x4000, s31;
	s1 =	sadd.s32 s1, s30  }
0xbd: {  	s0 =	sor.u32 s3, s0;
	s1 =	sshll.u32 s1, $0x11  }
0xbe: {  	s0 =	sor.u32 s1, s0  }
0xbf: {  	s0 =	sadd.s32 $0x8F2B, s0  }
0xc0: {  	[sflag:s0] =	ssyncadd.remote.s32 $0x1  }
0xc1: {  	_ =	sfence.sel $0xFFFF  }
0xc2: {  	[dreg:$0x0] =	wrdreg $0xFFFFFFFF;
	(pc) =	sbr.abs _section_cstart, $3  }
0xc3: {  	[dreg:$0x1] =	wrdreg $0xFFFFFFFF  }
0xc4: {  	_ =	task.clear_ibuf [dreg:s9], $0x2FFFF;
	_ =	strace $0x9FFFFFFF  }
0xc5: {  	(tm) =	ssettm $0x7FFFFFFF  }
tec
execute0_lowered:
.L_overlay_start_1:
0x0: {  	(tag) =	ssettag $0x1  }
0x1: {  	s2 =	rddreg [dreg:$0x0]  }
0x2: {  	s3 =	rddreg [dreg:$0x1]  }
0x3: {  	s0 =	srdreg.scid;
	s5 =	rddreg [dreg:$0x2]  }
0x4: {  	s1 =	stileid.u32;
	s6 =	simm.s32 $0x0;
	s0 =	sand.u32 $0x1, s0  }
0x5: {  	s15 =	simm.s32 $0xF000;
	s1 =	sshll.u32 s1, $0x7;
	s4 =	sshll.u32 s0, $0x6  }
0x6: {  	s16 =	simm.s32 $0x10000;
	s0 =	ssub.s32 $0x2, s0;
	s1 =	sor.u32 s4, s1  }
0x7: {  	[smem:$0x7FF] =	sst s6;
	s22 =	sshrl.u32 s0, $0x1;
	s6 =	sshll.u32 s1, $0x7  }
0x8: {  	s17 =	simm.s32 $0x11000;
	s0 =	ssub.s32 s0, s22;
	s7 =	sadd.s32 s3, s6  }
0x9: {  	_ =	strace $0x80000047;
	s0 =	smax.u32 s0, $0x1;
	[dreg:$0x4] =	wrdreg s7  }
0xa: {  	s23 =	sor.u32 $0x40, s6;
	s24 =	sadd.s32 s2, s6;
	[dreg:$0x8] =	wrdreg s0  }
0xb: {  	s13 =	sadd.s32 $0x40, s5;
	s8 =	sadd.s32 s3, s23;
	[dreg:$0x5] =	wrdreg s24  }
0xc: {  	s5 =	simm.s32 $0x1;
	s25 =	sadd.s32 $0x40000, s24;
	[dreg:$0x6] =	wrdreg s8  }
0xd: {  	s11 =	sshrl.u32 s1, $0x3;
	s26 =	sadd.s32 $0x80000, s24;
	[dreg:$0x9] =	wrdreg s25  }
0xe: {  	s22 =	simm.s32 $0x200;
	s28 =	sadd.s32 $0xC0000, s24;
	[dreg:$0xa] =	wrdreg s26  }
.Ltmp0:
0xf: {  	s4 =	sadd.s32 s2, s23;
	[dreg:$0xb] =	wrdreg s28;
	(pc) =	sbr.rel .LBB2_1-.Ltmp0, $4  }
0x10: {  	s12 =	sor.u32 $0x400, s6;
	s29 =	sadd.s32 $0x40000, s4;
	[dreg:$0x7] =	wrdreg s4  }
0x11: {  	s14 =	sor.u32 $0x440, s6;
	s30 =	sadd.s32 $0x80000, s4;
	[dreg:$0xc] =	wrdreg s29  }
0x12: {  	s23 =	simm.s32 $0x400;
	s31 =	sadd.s32 $0xC0000, s4;
	[dreg:$0xd] =	wrdreg s30  }
0x13: {  	s7 =	simm.s32 $0x2;
	s4 =	simm.s32 $0x0;
	[dreg:$0xe] =	wrdreg s31  }
.LBB2_8:
0x14: {  	s0 =	simm.s32 $0x3  }
0x15: {  	_ =	swait.ge [sflag:s0], $0x4000  }
0x16: {  	[sflag:s0] =	ssyncset.done $0x0  }
0x17: {  	s1 =	simm.s32 $0x4;
	[sflag:s0] =	ssyncadd.s32 $0xFFFFC000  }
0x18: {  	_ =	swait.ge [sflag:s1], $0x4000  }
0x19: {  	s4 =	rddreg [dreg:$0xf]  }
0x1a: {  	s31 =	rddreg [dreg:$0x8];
	s4 =	sadd.s32 $0x1, s4  }
0x1b: {  	p0 =	sne.s32 s4, s31  }
.Ltmp1:
0x1c: {  	_ = 	snop;
	(pc) =	sbr.rel @!p0 .LBB2_9-.Ltmp1, $3  }
0x1d: {  	_ =	sdelay $0x1  }
0x1e: {  	[sflag:s1] =	ssyncset.done $0x0  }
0x1f: {  	[sflag:s1] =	ssyncadd.s32 $0xFFFFC000  }
.LBB2_1:
0x20: {  	[dreg:$0xf] =	wrdreg s4  }
0x21: {  	s0 =	simm.s32 $0x0;
	s1 =	rddreg [dreg:$0x4]  }
0x22: {  	[tilespmem:s0], [sflag:$0x1] =	stream.strided.gather [hbm4b:s1+s22], $0x1000, s23, s22, $0x38;
	[tilespmem:$0x12000] =	vst v63  }
0x23: {  	s30 =	rddreg [dreg:$0x5];
	s31 =	simm.s32 $0x2000  }
0x24: {  	[tilespmem:s31], [sflag:$0x1] =	stream.strided.gather [hbm4b:s30+s22], $0x1000, s23, s22, $0x38;
	[tilespmem:$0x12000] =	vst v63  }
0x25: {  	s4 =	simm.s32 $0x3000;
	s1 =	rddreg [dreg:$0x9]  }
0x26: {  	[tilespmem:s4], [sflag:$0x1] =	stream.strided.gather [hbm4b:s1+s22], $0x1000, s23, s22, $0x38;
	[tilespmem:$0x12000] =	vst v63  }
0x27: {  	s8 =	rddreg [dreg:$0xa];
	s9 =	simm.s32 $0x4000  }
0x28: {  	[tilespmem:s9], [sflag:$0x1] =	stream.strided.gather [hbm4b:s8+s22], $0x1000, s23, s22, $0x38;
	[tilespmem:$0x12000] =	vst v63  }
0x29: {  	s10 =	rddreg [dreg:$0xb];
	s18 =	simm.s32 $0x5000  }
0x2a: {  	[tilespmem:s18], [sflag:$0x1] =	stream.strided.gather [hbm4b:s10+s22], $0x1000, s23, s22, $0x38;
	[tilespmem:$0x12000] =	vst v63  }
0x2b: {  	s19 =	rddreg [dreg:$0x6];
	s20 =	simm.s32 $0x1000  }
0x2c: {  	[tilespmem:s20], [sflag:$0x2] =	stream.strided.gather [hbm4b:s19+s22], $0x1000, s23, s22, $0x38;
	[tilespmem:$0x12000] =	vst v63  }
0x2d: {  	s21 =	rddreg [dreg:$0x7];
	s24 =	simm.s32 $0x6000  }
0x2e: {  	[tilespmem:s24], [sflag:$0x2] =	stream.strided.gather [hbm4b:s21+s22], $0x1000, s23, s22, $0x38;
	[tilespmem:$0x12000] =	vst v63  }
0x2f: {  	s25 =	rddreg [dreg:$0xc];
	s26 =	simm.s32 $0x7000  }
0x30: {  	[tilespmem:s26], [sflag:$0x2] =	stream.strided.gather [hbm4b:s25+s22], $0x1000, s23, s22, $0x38;
	[tilespmem:$0x12000] =	vst v63  }
0x31: {  	s28 =	rddreg [dreg:$0xd];
	s29 =	simm.s32 $0x8000  }
0x32: {  	[tilespmem:s29], [sflag:$0x2] =	stream.strided.gather [hbm4b:s28+s22], $0x1000, s23, s22, $0x38;
	[tilespmem:$0x12000] =	vst v63  }
0x33: {  	s30 =	rddreg [dreg:$0xe];
	s31 =	simm.s32 $0x9000;
	s21 =	simm.s32 $0x0  }
0x34: {  	[tilespmem:s31], [sflag:$0x2] =	stream.strided.gather [hbm4b:s30+s22], $0x1000, s23, s22, $0x38;
	[tilespmem:$0x12000] =	vst v63  }
.LBB2_2:
0x35: {  	_ =	swait.ge [sflag:s5], $0x1000  }
0x36: {  	[sflag:s5] =	ssyncset.done $0x0  }
0x37: {  	[sflag:s5] =	ssyncadd.s32 $0xFFFFF000  }
0x38: {  	_ =	swait.ge [sflag:s5], $0x4000  }
0x39: {  	p1 =	seq.s32 s21, $0x0;
	[sflag:s5] =	ssyncset.done $0x0  }
0x3a: {  	s18 =	simm.s32 $0x0;
	s4 =	simm.s32 @!p1 $0x3;
	[sflag:s5] =	ssyncadd.s32 $0xFFFFC000  }
0x3b: {  	s8 =	sand.u32 $0xE00, s18;
	s10 =	sand.u32 $0x180, s18;
	_ =	swait.ge @!p1 [sflag:s4], $0x4000  }
0x3c: {  	s19 =	sand.u32 $0x40, s18;
	s8 =	sor.u32 s10, s8;
	[sflag:s4] =	ssyncset.done @!p1 $0x0  }
0x3d: {  	s10 =	sor.u32 s19, s8;
	[sflag:s4] =	ssyncadd.s32 @!p1 $0xFFFFC000  }
0x3e: {  	v0 =	vld [tilespmem:s10+$0x30]  }
0x3f: {  	v1 =	vld [tilespmem:s10+$0x5030]  }
0x40: {  	v2 =	vld [tilespmem:s10+$0x0]  }
0x41: {  	v3 =	vld [tilespmem:s10+$0x2000]  }
0x42: {  	v4 =	vld [tilespmem:s10+$0x3000]  }
0x43: {  	v8 =	vld [tilespmem:s10+$0x10]  }
0x44: {  	v9 =	vld [tilespmem:s10+$0x3010]  }
0x45: {  	v5 =	vld [tilespmem:s10+$0x4000];
	_ =	sdelay $0x1  }
0x46: {  	v6 =	vld [tilespmem:s10+$0x5000];
	v1 =	vadd.f32 v1, v0  }
0x47: {  	v7 =	vld [tilespmem:s10+$0x2010];
	v3 =	vadd.f32 v3, v2  }
0x48: {  	v10 =	vld [tilespmem:s10+$0x4010];
	v9 =	vadd.f32 v9, v8;
	[tilespmem:s10+$0xD030] =	vst v1  }
0x49: {  	v1 =	vadd.f32 v4, v2;
	[tilespmem:s10+$0xA000] =	vst v3;
	v3 =	vadd.f32 v5, v2;
	v5 =	vld [tilespmem:s10+$0x5010]  }
0x4a: {  	v4 =	vld [tilespmem:s10+$0x2020];
	[tilespmem:s10+$0xB010] =	vst v9  }
0x4b: {  	v2 =	vadd.f32 v6, v2;
	[tilespmem:s10+$0xB000] =	vst v1;
	v1 =	vld [tilespmem:s10+$0x20]  }
0x4c: {  	v6 =	vadd.f32 v7, v8;
	[tilespmem:s10+$0xC000] =	vst v3;
	v3 =	vld [tilespmem:s10+$0x3020]  }
0x4d: {  	s20 =	simm.s32 $0x100;
	v7 =	vadd.f32 v10, v8;
	[tilespmem:s10+$0xD000] =	vst v2;
	v2 =	vld [tilespmem:s10+$0x4020]  }
0x4e: {  	s8 =	sshll.u32 s21, $0xA;
	s19 =	simm.s32 $0x8;
	s4 =	simm.s32 $0x0;
	[tilespmem:s10+$0xA010] =	vst v6;
	v6 =	vadd.f32 v5, v8;
	v5 =	vld [tilespmem:s10+$0x5020]  }
.LBB2_3:
0x4f: {  	s29 =	sand.u32 $0xE00, s20;
	s30 =	sand.u32 $0x180, s19;
	[tilespmem:s10+$0xC010] =	vst v7;
	v7 =	vld [tilespmem:s10+$0x2030];
	s18 =	sadd.s32 $0x40, s18  }
0x50: {  	s4 =	sadd.s32 $0x4, s4;
	s31 =	sand.u32 $0x40, s18;
	s29 =	sor.u32 s30, s29;
	[tilespmem:s10+$0xD010] =	vst v6;
	v4 =	vadd.f32 v4, v1;
	v6 =	vld [tilespmem:s10+$0x3030]  }
0x51: {  	p0 =	slt.u32 s4, $0xFC;
	s29 =	sor.u32 s31, s29;
	v3 =	vadd.f32 v3, v1;
	v8 =	vld [tilespmem:s10+$0x4030]  }
0x52: {  	v9 =	vld [tilespmem:s29+$0x30];
	[tilespmem:s10+$0xA020] =	vst v4;
	v2 =	vadd.f32 v2, v1  }
0x53: {  	v4 =	vld [tilespmem:s29+$0x5030];
	[tilespmem:s10+$0xB020] =	vst v3;
	v1 =	vadd.f32 v5, v1  }
0x54: {  	v3 =	vld [tilespmem:s29+$0x0];
	[tilespmem:s10+$0xC020] =	vst v2;
	v2 =	vadd.f32 v7, v0  }
0x55: {  	v5 =	vld [tilespmem:s29+$0x2000];
	[tilespmem:s10+$0xD020] =	vst v1;
	v1 =	vadd.f32 v6, v0  }
0x56: {  	v6 =	vld [tilespmem:s29+$0x3000];
	[tilespmem:s10+$0xA030] =	vst v2;
	v2 =	vadd.f32 v8, v0  }
0x57: {  	v7 =	vld [tilespmem:s29+$0x4000];
	[tilespmem:s10+$0xB030] =	vst v1;
	v0 =	vmov v9  }
0x58: {  	v1 =	vld [tilespmem:s29+$0x5000];
	v4 =	vadd.f32 v4, v0;
	[tilespmem:s10+$0xC030] =	vst v2;
	s10 =	smov.u32 s29  }
0x59: {  	v8 =	vld [tilespmem:s10+$0x10]  }
0x5a: {  	v2 =	vadd.f32 v5, v3;
	v5 =	vld [tilespmem:s10+$0x2010];
	[tilespmem:s10+$0xD030] =	vst v4  }
0x5b: {  	v4 =	vadd.f32 v6, v3;
	v6 =	vld [tilespmem:s10+$0x3010]  }
0x5c: {  	[tilespmem:s10+$0xA000] =	vst v2;
	v2 =	vadd.f32 v7, v3;
	v7 =	vld [tilespmem:s10+$0x4010]  }
0x5d: {  	[tilespmem:s10+$0xB000] =	vst v4;
	v3 =	vadd.f32 v1, v3;
	v9 =	vld [tilespmem:s10+$0x5010]  }
.Ltmp2:
0x5e: {  	[tilespmem:s10+$0xC000] =	vst v2;
	v1 =	vld [tilespmem:s10+$0x20];
	(pc) =	sbr.rel @p0 .LBB2_3-.Ltmp2, $4  }
0x5f: {  	[tilespmem:s10+$0xD000] =	vst v3;
	v2 =	vadd.f32 v5, v8;
	v4 =	vld [tilespmem:s10+$0x2020]  }
0x60: {  	v5 =	vadd.f32 v6, v8;
	v3 =	vld [tilespmem:s10+$0x3020]  }
0x61: {  	[tilespmem:s10+$0xA010] =	vst v2;
	v7 =	vadd.f32 v7, v8;
	v2 =	vld [tilespmem:s10+$0x4020]  }
0x62: {  	s19 =	sadd.s32 $0x8, s19;
	s20 =	sadd.s32 $0x100, s20;
	[tilespmem:s10+$0xB010] =	vst v5;
	v6 =	vadd.f32 v9, v8;
	v5 =	vld [tilespmem:s10+$0x5020]  }
0x63: {  	v8 =	vld [tilespmem:s10+$0x2030]  }
0x64: {  	[tilespmem:s10+$0xC010] =	vst v7;
	v7 =	vld [tilespmem:s10+$0x3030];
	v4 =	vadd.f32 v4, v1  }
0x65: {  	[tilespmem:s10+$0xD010] =	vst v6;
	v6 =	vld [tilespmem:s10+$0x4030];
	v3 =	vadd.f32 v3, v1  }
0x66: {  	[tilespmem:s10+$0xA020] =	vst v4;
	v2 =	vadd.f32 v2, v1  }
0x67: {  	[tilespmem:s10+$0xB020] =	vst v3;
	v1 =	vadd.f32 v5, v1  }
0x68: {  	[tilespmem:s10+$0xC020] =	vst v2;
	v2 =	vadd.f32 v8, v0  }
0x69: {  	[tilespmem:s10+$0xD020] =	vst v1;
	v1 =	vadd.f32 v7, v0  }
0x6a: {  	s4 =	sadd.s32 s11, s21;
	v0 =	vadd.f32 v6, v0;
	[tilespmem:s10+$0xA030] =	vst v2  }
0x6b: {  	s0 =	rddreg [dreg:$0x2];
	s4 =	sshll.u32 s4, $0xA;
	[tilespmem:s10+$0xB030] =	vst v1  }
0x6c: {  	s18 =	simm.s32 $0xA000;
	s4 =	sadd.s32 s0, s4;
	[tilespmem:s10+$0xC030] =	vst v0  }
0x6d: {  	[hbm4b:s4+s22] =	stream.strided.scatter [tilespmem:s18], [sflag:$0x3], $0x1000, s23, s22, $0x38;
	[tilespmem:$0x12000] =	vst v63  }
0x6e: {  	s20 =	simm.s32 $0xB000;
	s19 =	sadd.s32 $0x40000, s4  }
0x6f: {  	[hbm4b:s19+s22] =	stream.strided.scatter [tilespmem:s20], [sflag:$0x3], $0x1000, s23, s22, $0x38;
	[tilespmem:$0x12000] =	vst v63  }
0x70: {  	s25 =	simm.s32 $0xC000;
	s24 =	sadd.s32 $0x80000, s4  }
0x71: {  	[hbm4b:s24+s22] =	stream.strided.scatter [tilespmem:s25], [sflag:$0x3], $0x1000, s23, s22, $0x38;
	[tilespmem:$0x12000] =	vst v63  }
0x72: {  	s26 =	simm.s32 $0xD000;
	p0 =	seq.s32 s21, $0x7;
	s4 =	sadd.s32 $0xC0000, s4  }
0x73: {  	[hbm4b:s4+s22] =	stream.strided.scatter [tilespmem:s26], [sflag:$0x3], $0x1000, s23, s22, $0x38;
	[tilespmem:$0x12000] =	vst v63  }
0x74: {  	s18 =	simm.s32 @!p0 $0x200;
	s4 =	sadd.s32 @!p0 s8, s12  }
0x75: {  	s19 =	simm.s32 @!p0 $0x400;
	s20 =	simm.s32 @!p0 $0x0;
	s10 =	sadd.s32 @!p0 s3, s4  }
0x76: {  	[tilespmem:s20], [sflag:$0x1] =	stream.strided.gather @!p0 [hbm4b:s10+s18], $0x1000, s19, s18, $0x38;
	[tilespmem:$0x12000] =	vst v63  }
0x77: {  	s4 =	sadd.s32 @!p0 s2, s4;
	s10 =	simm.s32 @!p0 $0x2000  }
0x78: {  	[tilespmem:s10], [sflag:$0x1] =	stream.strided.gather @!p0 [hbm4b:s4+s18], $0x1000, s19, s18, $0x38;
	[tilespmem:$0x12000] =	vst v63  }
0x79: {  	s20 =	simm.s32 @!p0 $0x3000;
	s10 =	sadd.s32 @!p0 $0x40000, s4  }
0x7a: {  	[tilespmem:s20], [sflag:$0x1] =	stream.strided.gather @!p0 [hbm4b:s10+s18], $0x1000, s19, s18, $0x38;
	[tilespmem:$0x12000] =	vst v63  }
0x7b: {  	s10 =	sadd.s32 @!p0 $0x80000, s4;
	s20 =	simm.s32 @!p0 $0x4000  }
0x7c: {  	[tilespmem:s20], [sflag:$0x1] =	stream.strided.gather @!p0 [hbm4b:s10+s18], $0x1000, s19, s18, $0x38;
	[tilespmem:$0x12000] =	vst v63  }
0x7d: {  	s4 =	sadd.s32 @!p0 $0xC0000, s4;
	s10 =	simm.s32 @!p0 $0x5000  }
0x7e: {  	[tilespmem:s10], [sflag:$0x1] =	stream.strided.gather @!p0 [hbm4b:s4+s18], $0x1000, s19, s18, $0x38;
	[tilespmem:$0x12000] =	vst v63  }
0x7f: {  	_ =	swait.ge [sflag:s7], $0x1000  }
0x80: {  	[sflag:s7] =	ssyncset.done $0x0  }
0x81: {  	[sflag:s7] =	ssyncadd.s32 $0xFFFFF000  }
0x82: {  	_ =	swait.ge [sflag:s7], $0x4000  }
0x83: {  	s18 =	simm.s32 $0x0;
	[sflag:s7] =	ssyncset.done $0x0  }
0x84: {  	s4 =	simm.s32 @!p1 $0x4;
	s28 =	sand.u32 $0x40, s18;
	[sflag:s7] =	ssyncadd.s32 $0xFFFFC000  }
0x85: {  	s0 =	sand.u32 $0xE00, s18;
	s1 =	sand.u32 $0x180, s18;
	_ =	swait.ge @!p1 [sflag:s4], $0x4000  }
0x86: {  	s29 =	sor.u32 s1, s0;
	s9 =	sor.u32 $0x30, s28;
	[sflag:s4] =	ssyncset.done @!p1 $0x0  }
0x87: {  	s24 =	sor.u32 $0x1000, s29;
	s10 =	sor.u32 s9, s29;
	[sflag:s4] =	ssyncadd.s32 @!p1 $0xFFFFC000  }
0x88: {  	s20 =	sor.u32 s9, s24;
	v3 =	vld [tilespmem:s10+$0x9000]  }
0x89: {  	s30 =	sor.u32 $0x10, s28;
	s31 =	sor.u32 s28, s24;
	v0 =	vld [tilespmem:s20+$0x0]  }
0x8a: {  	s25 =	sor.u32 $0x20, s28;
	s26 =	sor.u32 s30, s24;
	v4 =	vld [tilespmem:s31+$0x0]  }
0x8b: {  	s4 =	sor.u32 s25, s24;
	v2 =	vld [tilespmem:s26+$0x0]  }
0x8c: {  	s28 =	sor.u32 s28, s29;
	v1 =	vld [tilespmem:s4+$0x0]  }
0x8d: {  	v5 =	vld [tilespmem:s28+$0x6000]  }
0x8e: {  	v6 =	vld [tilespmem:s28+$0x7000]  }
0x8f: {  	v8 =	vld [tilespmem:s28+$0x8000]  }
0x90: {  	s20 =	sor.u32 s30, s29;
	v9 =	vld [tilespmem:s28+$0x9000]  }
0x91: {  	v10 =	vld [tilespmem:s20+$0x6000];
	v3 =	vadd.f32 v3, v0  }
0x92: {  	v11 =	vld [tilespmem:s20+$0x7000];
	v5 =	vadd.f32 v5, v4  }
0x93: {  	v7 =	vld [tilespmem:s20+$0x8000];
	[tilespmem:s10+$0x11000] =	vst v3;
	v3 =	vadd.f32 v6, v4  }
0x94: {  	s19 =	sor.u32 s25, s29;
	v8 =	vadd.f32 v8, v4;
	[tilespmem:s28+$0xE000] =	vst v5;
	v6 =	vld [tilespmem:s20+$0x9000]  }
0x95: {  	v5 =	vld [tilespmem:s19+$0x6000];
	[tilespmem:s28+$0xF000] =	vst v3;
	v3 =	vadd.f32 v9, v4  }
0x96: {  	[tilespmem:s28+$0x10000] =	vst v8;
	v4 =	vld [tilespmem:s19+$0x7000];
	v9 =	vadd.f32 v10, v2  }
0x97: {  	s4 =	simm.s32 $0x0;
	s29 =	simm.s32 $0x40;
	s30 =	simm.s32 $0x0;
	v8 =	vadd.f32 v11, v2;
	[tilespmem:s28+$0x11000] =	vst v3;
	v3 =	vld [tilespmem:s19+$0x8000]  }
.LBB2_5:
0x98: {  	s0 =	sand.u32 $0x40, s29;
	[tilespmem:s20+$0xE000] =	vst v9;
	v7 =	vadd.f32 v7, v2;
	v9 =	vld [tilespmem:s19+$0x9000];
	s18 =	sadd.s32 $0x8, s18;
	s30 =	sadd.s32 $0x100, s30  }
0x99: {  	s4 =	sadd.s32 $0x4, s4;
	s31 =	sand.u32 $0xE00, s30;
	s1 =	sand.u32 $0x180, s18;
	[tilespmem:s20+$0xF000] =	vst v8;
	v2 =	vadd.f32 v6, v2;
	v6 =	vld [tilespmem:s10+$0x6000]  }
0x9a: {  	p1 =	slt.u32 s4, $0xFC;
	s1 =	sor.u32 s1, s31;
	s31 =	sor.u32 $0x30, s0;
	[tilespmem:s20+$0x10000] =	vst v7;
	v5 =	vadd.f32 v5, v1;
	v7 =	vld [tilespmem:s10+$0x7000]  }
0x9b: {  	s25 =	sor.u32 $0x10, s0;
	s24 =	sor.u32 $0x1000, s1;
	s26 =	sor.u32 s31, s1;
	[tilespmem:s20+$0x11000] =	vst v2;
	v2 =	vadd.f32 v4, v1;
	v4 =	vld [tilespmem:s10+$0x8000]  }
0x9c: {  	s28 =	sor.u32 $0x20, s0;
	s20 =	sor.u32 s0, s24;
	s31 =	sor.u32 s31, s24;
	v8 =	vld [tilespmem:s26+$0x9000];
	[tilespmem:s19+$0xE000] =	vst v5;
	v3 =	vadd.f32 v3, v1  }
0x9d: {  	s0 =	sor.u32 s0, s1;
	s9 =	sor.u32 s25, s24;
	s24 =	sor.u32 s28, s24;
	v5 =	vld [tilespmem:s31+$0x0];
	[tilespmem:s19+$0xF000] =	vst v2;
	v1 =	vadd.f32 v9, v1  }
0x9e: {  	v9 =	vld [tilespmem:s20+$0x0];
	s20 =	sor.u32 s25, s1;
	s1 =	sor.u32 s28, s1;
	[tilespmem:s19+$0x10000] =	vst v3;
	v3 =	vadd.f32 v6, v0  }
0x9f: {  	v2 =	vld [tilespmem:s9+$0x0];
	[tilespmem:s19+$0x11000] =	vst v1;
	v6 =	vadd.f32 v7, v0;
	s19 =	smov.u32 s1  }
0xa0: {  	v1 =	vld [tilespmem:s24+$0x0];
	[tilespmem:s10+$0xE000] =	vst v3;
	v7 =	vadd.f32 v4, v0  }
0xa1: {  	v3 =	vld [tilespmem:s0+$0x6000];
	[tilespmem:s10+$0xF000] =	vst v6  }
0xa2: {  	v4 =	vld [tilespmem:s0+$0x7000];
	v6 =	vadd.f32 v8, v5;
	[tilespmem:s10+$0x10000] =	vst v7;
	v0 =	vmov v5;
	s10 =	smov.u32 s26  }
0xa3: {  	v5 =	vld [tilespmem:s0+$0x8000]  }
0xa4: {  	v8 =	vld [tilespmem:s0+$0x9000];
	[tilespmem:s10+$0x11000] =	vst v6  }
0xa5: {  	v10 =	vld [tilespmem:s20+$0x6000]  }
0xa6: {  	v3 =	vadd.f32 v3, v9;
	v11 =	vld [tilespmem:s20+$0x7000]  }
.Ltmp3:
0xa7: {  	v4 =	vadd.f32 v4, v9;
	v7 =	vld [tilespmem:s20+$0x8000];
	(pc) =	sbr.rel @p1 .LBB2_5-.Ltmp3, $4  }
0xa8: {  	[tilespmem:s0+$0xE000] =	vst v3;
	v3 =	vadd.f32 v5, v9;
	v6 =	vld [tilespmem:s20+$0x9000]  }
0xa9: {  	[tilespmem:s0+$0xF000] =	vst v4;
	v8 =	vadd.f32 v8, v9;
	v5 =	vld [tilespmem:s19+$0x6000]  }
0xaa: {  	[tilespmem:s0+$0x10000] =	vst v3;
	v9 =	vadd.f32 v10, v2;
	v4 =	vld [tilespmem:s19+$0x7000]  }
0xab: {  	s29 =	sadd.s32 $0x40, s29;
	[tilespmem:s0+$0x11000] =	vst v8;
	v8 =	vadd.f32 v11, v2;
	v3 =	vld [tilespmem:s19+$0x8000]  }
0xac: {  	[tilespmem:s20+$0xE000] =	vst v9;
	v7 =	vadd.f32 v7, v2;
	v54 =	vld [tilespmem:s19+$0x9000]  }
0xad: {  	v56 =	vld [tilespmem:s10+$0x6000];
	[tilespmem:s20+$0xF000] =	vst v8;
	v55 =	vadd.f32 v6, v2  }
0xae: {  	v57 =	vld [tilespmem:s10+$0x7000];
	[tilespmem:s20+$0x10000] =	vst v7;
	v5 =	vadd.f32 v5, v1  }
0xaf: {  	v59 =	vld [tilespmem:s10+$0x8000];
	[tilespmem:s20+$0x11000] =	vst v55;
	v58 =	vadd.f32 v4, v1  }
0xb0: {  	[tilespmem:s19+$0xE000] =	vst v5;
	v3 =	vadd.f32 v3, v1  }
0xb1: {  	[tilespmem:s19+$0xF000] =	vst v58;
	v60 =	vadd.f32 v54, v1  }
0xb2: {  	v61 =	vadd.f32 v56, v0;
	[tilespmem:s19+$0x10000] =	vst v3  }
0xb3: {  	v62 =	vadd.f32 v57, v0;
	[tilespmem:s19+$0x11000] =	vst v60  }
0xb4: {  	v63 =	vadd.f32 v59, v0;
	[tilespmem:s10+$0xE000] =	vst v61  }
0xb5: {  	s0 =	sor.u32 s8, s6;
	[tilespmem:s10+$0xF000] =	vst v62  }
0xb6: {  	s1 =	simm.s32 $0xE000;
	s0 =	sadd.s32 s0, s13;
	[tilespmem:s10+$0x10000] =	vst v63  }
0xb7: {  	[hbm4b:s0+s22] =	stream.strided.scatter [tilespmem:s1], [sflag:$0x4], $0x1000, s23, s22, $0x38;
	[tilespmem:$0x12000] =	vst v63  }
0xb8: {  	s30 =	sadd.s32 $0x40000, s0  }
0xb9: {  	[hbm4b:s30+s22] =	stream.strided.scatter [tilespmem:s15], [sflag:$0x4], $0x1000, s23, s22, $0x38;
	[tilespmem:$0x12000] =	vst v63  }
.Ltmp4:
0xba: {  	_ = 	snop;
	(pc) =	sbr.rel @p0 .LBB2_8-.Ltmp4, $4  }
0xbb: {  	s31 =	sadd.s32 $0x80000, s0  }
0xbc: {  	[hbm4b:s31+s22] =	stream.strided.scatter [tilespmem:s16], [sflag:$0x4], $0x1000, s23, s22, $0x38;
	[tilespmem:$0x12000] =	vst v63  }
0xbd: {  	s0 =	sadd.s32 $0xC0000, s0  }
0xbe: {  	[hbm4b:s0+s22] =	stream.strided.scatter [tilespmem:s17], [sflag:$0x4], $0x1000, s23, s22, $0x38;
	[tilespmem:$0x12000] =	vst v63  }
0xbf: {  	s0 =	sadd.s32 s8, s14  }
0xc0: {  	s4 =	simm.s32 $0x1000;
	s1 =	sadd.s32 s3, s0  }
0xc1: {  	[tilespmem:s4], [sflag:$0x2] =	stream.strided.gather [hbm4b:s1+s22], $0x1000, s23, s22, $0x38;
	[tilespmem:$0x12000] =	vst v63  }
0xc2: {  	s25 =	simm.s32 $0x6000;
	s0 =	sadd.s32 s2, s0  }
0xc3: {  	[tilespmem:s25], [sflag:$0x2] =	stream.strided.gather [hbm4b:s0+s22], $0x1000, s23, s22, $0x38;
	[tilespmem:$0x12000] =	vst v63  }
0xc4: {  	s28 =	simm.s32 $0x7000;
	s26 =	sadd.s32 $0x40000, s0  }
0xc5: {  	[tilespmem:s28], [sflag:$0x2] =	stream.strided.gather [hbm4b:s26+s22], $0x1000, s23, s22, $0x38;
	[tilespmem:$0x12000] =	vst v63  }
.Ltmp5:
0xc6: {  	_ = 	snop;
	(pc) =	sbr.rel .LBB2_2-.Ltmp5, $4  }
0xc7: {  	s30 =	simm.s32 $0x8000;
	s29 =	sadd.s32 $0x80000, s0  }
0xc8: {  	[tilespmem:s30], [sflag:$0x2] =	stream.strided.gather [hbm4b:s29+s22], $0x1000, s23, s22, $0x38;
	[tilespmem:$0x12000] =	vst v63  }
0xc9: {  	s31 =	simm.s32 $0x9000;
	s21 =	sadd.s32 $0x1, s21;
	s0 =	sadd.s32 $0xC0000, s0  }
0xca: {  	[tilespmem:s31], [sflag:$0x2] =	stream.strided.gather [hbm4b:s0+s22], $0x1000, s23, s22, $0x38;
	[tilespmem:$0x12000] =	vst v63  }
.LBB2_9:
0xcb: {  	_ =	sfence.sel $0x180000  }
0xcc: {  	[bflag:$0x0] =	sbarrier.arrive $0xFFFF  }
0xcd: {  	_ =	strace $0x90000047  }
0xce: {  	s0 =	stileid.u32;
	[bflag:$0x2] =	sbarrier.arrive $0xFFFF  }
0xcf: {  	p0 =	sne.s32 s0, $0x0;
	s0 =	rddreg [dreg:$0x3]  }
0xd0: {  	s0 =	sadd.s32 @!p0 $0x100000, s0  }
0xd1: {  	[sflag:s0] =	ssyncadd.tile.s32 @!p0 $0x1;
	_ =	shalt  }
.Lfunc_end2:
_tile_overlayer_lowered:
.L_overlay_start_2:
0xd2: {  	(tag) =	ssettag $0x2  }
0xd3: {  	s0 =	rddreg [dreg:$0x0];
	s2 =	stileid.u32  }
0xd4: {  	s1 =	rddreg [dreg:$0x1];
	p0 =	sne.s32 s2, $0x0  }
0xd5: {  	s3 =	rddreg [dreg:$0x2];
	[bflag:$0x3] =	sbarrier.arrive $0xFFFF;
	s2 =	simm.s32 @!p0 $0x1C05  }
0xd6: {  	[timem:s3], [sflag:s2] =	dma.local @!p0 [hbm:s0], s1  }
0xd7: {  	s0 =	simm.s32 @!p0 $0x5  }
0xd8: {  	_ =	swait.ge @!p0 [sflag:s0], s1  }
0xd9: {  	s1 =	ssub.s32 @!p0 $0x0, s1;
	[sflag:s0] =	ssyncset.done @!p0 $0x0  }
0xda: {  	[sflag:s0] =	ssyncadd.s32 @!p0 s1  }
0xdb: {  	[bflag:$0x3] =	sbarrier.arrive $0xFFFF  }
0xdc: {  	_ =	shalt  }

</sc_bundles>
